<compile_context>
chip_gen: v7x
topology: tpu7x:2x2x1
jax: 0.10.2.dev20260603
libtpu: 0.0.44.dev20260713+nightly
codegen_flags: <defaults>
</compile_context>

<pallas_src>
import functools

import jax
import jax.numpy as jnp
from jax import lax
from jax.experimental import pallas as pl
from jax.experimental.pallas import tpu as pltpu
from jax.experimental.pallas import tpu_sc as plsc

_K = 8192
_C = 32
_N = 8192
_TN = 1024
_TK = 256
_NKT = _K // _TK
_COMMITMENT = 0.25

_NC = 2
_NS = 16
_NW = _NC * _NS
_BPW = _N // _NW
_CHUNK = 128
_NCHUNK = _BPW // _CHUNK


_LANES = 128


def _argmin_body(x_ref, w_ref, idx_ref, dsum_ref, csum_ref):
    i = pl.program_id(0)

    @pl.when(i == 0)
    def _precompute():
        csum_ref[...] = lax.dot_general(
            jnp.ones((1, _C), jnp.float32), w_ref[...] * w_ref[...],
            (((1,), (1,)), ((), ())), preferred_element_type=jnp.float32)
        dsum_ref[...] = jnp.zeros_like(dsum_ref)

    x = jnp.transpose(x_ref[0], (1, 0))
    a = jnp.sum(x * x, axis=1, keepdims=True)
    xs = x * 2.0

    bestv = jnp.full((_TN, _LANES), jnp.inf, jnp.float32)
    bidxv = jnp.zeros((_TN, _LANES), jnp.int32)
    lane = lax.broadcasted_iota(jnp.int32, (_TN, _LANES), 1)

    for j in range(_NKT):
        w = w_ref[j * _TK:(j + 1) * _TK, :]
        xw2 = lax.dot_general(xs, w, (((1,), (1,)), ((), ())),
                              preferred_element_type=jnp.float32)
        for p in range(_TK // _LANES):
            base = j * _TK + p * _LANES
            dch = (a - xw2[:, p * _LANES:(p + 1) * _LANES]) \
                + csum_ref[:, base:base + _LANES]
            take = dch < bestv
            bestv = jnp.where(take, dch, bestv)
            bidxv = jnp.where(take, lane + base, bidxv)

    m = jnp.min(bestv, axis=1, keepdims=True)
    cand = jnp.where(bestv == m, bidxv, jnp.int32(2**30))
    idx = jnp.min(cand, axis=1, keepdims=True)
    idx_ref[...] = idx.reshape(_TN // _BPW, _NCHUNK, _CHUNK)
    dsum_ref[...] += jnp.sum(m, keepdims=True)


def _sc_gather_body(w_hbm, idx_hbm, out_hbm, idx_v, rows_v, sem):
    wid = lax.axis_index("s") * _NC + lax.axis_index("c")
    base = wid * _BPW
    pltpu.sync_copy(idx_hbm.at[wid], idx_v)
    copies = [
        pltpu.async_copy(w_hbm.at[idx_v.at[j]], rows_v.at[j], sem)
        for j in range(_NCHUNK)
    ]
    for cp in copies:
        cp.wait()
    for j in range(_NCHUNK):
        pltpu.sync_copy(rows_v.at[j], out_hbm.at[pl.ds(base + j * _CHUNK, _CHUNK)])


_sc_gather = functools.partial(
    pl.kernel,
    out_type=jax.ShapeDtypeStruct((_N, _C), jnp.float32),
    mesh=plsc.VectorSubcoreMesh(core_axis_name="c", subcore_axis_name="s"),
    scratch_types=[
        pltpu.VMEM((_NCHUNK, _CHUNK), jnp.int32),
        pltpu.VMEM((_NCHUNK, _CHUNK, _C), jnp.float32),
        pltpu.SemaphoreType.DMA,
    ],
    compiler_params=pltpu.CompilerParams(use_tc_tiling_on_sc=False,
                                         skip_device_barrier=True),
)(_sc_gather_body)


def kernel(inputs, weights):
    b, c, h, w = inputs.shape
    x_cm = inputs.reshape(b, c, h * w)

    idx3, dsum = pl.pallas_call(
        _argmin_body,
        grid=(_N // _TN,),
        in_specs=[
            pl.BlockSpec((1, _C, _TN), lambda i: (i, 0, 0)),
            pl.BlockSpec((_K, _C), lambda i: (0, 0)),
        ],
        out_specs=[
            pl.BlockSpec((_TN // _BPW, _NCHUNK, _CHUNK), lambda i: (i, 0, 0)),
            pl.BlockSpec((1, 1), lambda i: (0, 0)),
        ],
        out_shape=[
            jax.ShapeDtypeStruct((_NW, _NCHUNK, _CHUNK), jnp.int32),
            jax.ShapeDtypeStruct((1, 1), jnp.float32),
        ],
        scratch_shapes=[pltpu.VMEM((1, _K), jnp.float32)],
    )(x_cm, weights)

    out_flat = _sc_gather(weights, idx3)

    m = dsum[0, 0] / jnp.float32(_N * _C)
    loss = m + _COMMITMENT * m
    quantized = out_flat.reshape(b, h, w, c)
    quantized = jnp.transpose(quantized, (0, 3, 1, 2))
    return (quantized, loss)

# --- scband reference (transcript-rebuilt; emitter-appended) ---
"""Pipeline reference for scband-vector-quantizer-57578331570266 (READ-ONLY COPY).

The authoritative reference and input builder live on the scoring server;
editing this copy changes nothing except your own understanding.
"""

import jax, jax.numpy as jnp
import numpy as np

NUM_EMBEDDINGS = 8192
EMBEDDING_DIM = 32
COMMITMENT_COST = 0.25


def setup_inputs(seed: int = 0) -> dict:
    key = jax.random.key(seed)
    k1, k2 = jax.random.split(key)
    inputs = jax.random.normal(k1, (8, EMBEDDING_DIM, 32, 32), dtype=jnp.float32)
    weights = jax.random.uniform(
        k2, (NUM_EMBEDDINGS, EMBEDDING_DIM), dtype=jnp.float32,
        minval=-1.0 / NUM_EMBEDDINGS, maxval=1.0 / NUM_EMBEDDINGS)
    return {"inputs": inputs, "weights": weights}


def reference(inputs, weights):
    # inputs: [B, C, H, W] with C == EMBEDDING_DIM
    flatten = jnp.transpose(inputs, (0, 2, 3, 1))  # [B, H, W, C]
    flat_input = flatten.reshape(-1, EMBEDDING_DIM)  # [N, C]
    distances = (
        jnp.sum(flat_input ** 2, axis=1, keepdims=True)
        - 2.0 * flat_input @ weights.T
        + jnp.sum(weights ** 2, axis=1)
    )  # [N, K]
    encoding_indices = jnp.argmin(distances, axis=1)  # [N]
    # scatter_ onehot: zeros[N, K].at[row, idx].set(1)
    encodings = jnp.zeros((encoding_indices.shape[0], NUM_EMBEDDINGS), dtype=jnp.float32)
    encodings = encodings.at[jnp.arange(encoding_indices.shape[0]), encoding_indices].set(1.0)
    quantized = encodings @ weights  # [N, C]
    quantized = quantized.reshape(flatten.shape)  # [B, H, W, C]
    e_latent_loss = jnp.mean((jax.lax.stop_gradient(quantized) - flatten) ** 2)
    q_latent_loss = jnp.mean((quantized - jax.lax.stop_gradient(flatten)) ** 2)
    loss = q_latent_loss + COMMITMENT_COST * e_latent_loss
    quantized = flatten + jax.lax.stop_gradient(quantized - flatten)
    quantized = jnp.transpose(quantized, (0, 3, 1, 2))  # [B, C, H, W]
    return (quantized, loss)

if __name__ == "__main__":
    import jax
    _d = setup_inputs()
    print(jax.jit(kernel)(*tuple(_d.values())))

</pallas_src>

<mosaic_0001>
#map = affine_map<(d0, d1) -> (0, 0)>
#map1 = affine_map<(d0, d1) -> (0, 0, 0)>
module attributes {stable_mosaic.version = 14 : i64} {
  func.func @_sc_gather_body(%arg0: i32, %arg1: i32, %arg2: memref<8192x32xf32, #tpu.memory_space<hbm>>, %arg3: memref<32x2x128xi32, #tpu.memory_space<hbm>>, %arg4: memref<8192x32xf32, #tpu.memory_space<hbm>>, %arg5: memref<2x128xi32, #tpu.memory_space<vmem>>, %arg6: memref<2x128x32xf32, #tpu.memory_space<vmem>>, %arg7: memref<!tpu.dma_semaphore, #tpu.memory_space<semaphore_mem>>) attributes {dimension_semantics = [#tpu.dimension_semantics<core_parallel>, #tpu.dimension_semantics<subcore_parallel>], iteration_bounds = array<i64: 2, 16>, scalar_prefetch = 0 : i64, scratch_operands = 3 : i64, tpu.core_type = #tpu.core_type<sc_vector_subcore>, window_params = [{transform_indices = #map}, {transform_indices = #map1}, {transform_indices = #map}]} {
    %mul3A = arith.constant 2 : i32
    %mul3A_0 = arith.muli %arg1, %mul3A : i32
    %add3A = arith.addi %mul3A_0, %arg0 : i32
    %mul3A_1 = arith.constant 256 : i32
    %mul3A_2 = arith.muli %add3A, %mul3A_1 : i32
    "tpu.region"() ({
      %run_scoped3A_54 = tpu.sem_alloc : memref<!tpu.dma_semaphore, #tpu.memory_space<semaphore_mem>>
      %dma_start3A_55 = arith.constant 0 : i32
      %dma_start3A_56 = arith.constant 0 : i32
      %dma_start3A_57 = tpu.memref_slice %arg3[%add3A, %dma_start3A_55, %dma_start3A_56] : memref<32x2x128xi32, #tpu.memory_space<hbm>> -> memref<1x2x128xi32, #tpu.memory_space<hbm>>
      %dma_start3A_58 = tpu.memref_squeeze %dma_start3A_57 : memref<1x2x128xi32, #tpu.memory_space<hbm>> -> memref<2x128xi32, #tpu.memory_space<hbm>>
      %dma_start3A_59 = arith.constant 0 : i32
      %dma_start3A_60 = arith.constant 0 : i32
      %dma_start3A_61 = tpu.memref_slice %arg3[%add3A, %dma_start3A_59, %dma_start3A_60] : memref<32x2x128xi32, #tpu.memory_space<hbm>> -> memref<1x2x128xi32, #tpu.memory_space<hbm>>
      %dma_start3A_62 = tpu.memref_squeeze %dma_start3A_61 : memref<1x2x128xi32, #tpu.memory_space<hbm>> -> memref<2x128xi32, #tpu.memory_space<hbm>>
      tpu.enqueue_dma source(%dma_start3A_62 : memref<2x128xi32, #tpu.memory_space<hbm>>) target(%arg5 : memref<2x128xi32, #tpu.memory_space<vmem>>) target_semaphore(%run_scoped3A_54 : memref<!tpu.dma_semaphore, #tpu.memory_space<semaphore_mem>>)
      %dma_wait3A_63 = arith.constant 0 : i32
      %dma_wait3A_64 = arith.constant 0 : i32
      %dma_wait3A_65 = tpu.memref_slice %arg3[%add3A, %dma_wait3A_63, %dma_wait3A_64] : memref<32x2x128xi32, #tpu.memory_space<hbm>> -> memref<1x2x128xi32, #tpu.memory_space<hbm>>
      %dma_wait3A_66 = tpu.memref_squeeze %dma_wait3A_65 : memref<1x2x128xi32, #tpu.memory_space<hbm>> -> memref<2x128xi32, #tpu.memory_space<hbm>>
      %dma_wait3A_67 = arith.constant 0 : i32
      %dma_wait3A_68 = arith.constant 0 : i32
      %dma_wait3A_69 = tpu.memref_slice %arg3[%add3A, %dma_wait3A_67, %dma_wait3A_68] : memref<32x2x128xi32, #tpu.memory_space<hbm>> -> memref<1x2x128xi32, #tpu.memory_space<hbm>>
      %dma_wait3A_70 = tpu.memref_squeeze %dma_wait3A_69 : memref<1x2x128xi32, #tpu.memory_space<hbm>> -> memref<2x128xi32, #tpu.memory_space<hbm>>
      tpu.wait_dma2 semaphore(%run_scoped3A_54 : memref<!tpu.dma_semaphore, #tpu.memory_space<semaphore_mem>>) src(%dma_wait3A_70 : memref<2x128xi32, #tpu.memory_space<hbm>>) dst(%arg5 : memref<2x128xi32, #tpu.memory_space<vmem>>)
      tpu.yield
    }) : () -> ()
    %dma_start3A = arith.constant 0 : i32
    %dma_start3A_3 = arith.constant 0 : i32
    %dma_start3A_4 = arith.constant 0 : i32
    %dma_start3A_5 = arith.constant 0 : i32
    %dma_start3A_6 = tpu.memref_slice %arg6[%dma_start3A_3, %dma_start3A_4, %dma_start3A_5] : memref<2x128x32xf32, #tpu.memory_space<vmem>> -> memref<1x128x32xf32, #tpu.memory_space<vmem>>
    %dma_start3A_7 = tpu.memref_squeeze %dma_start3A_6 : memref<1x128x32xf32, #tpu.memory_space<vmem>> -> memref<128x32xf32, #tpu.memory_space<vmem>>
    %dma_start3A_8 = arith.constant 0 : i32
    %dma_start3A_9 = tpu.memref_slice %arg5[%dma_start3A, %dma_start3A_8] : memref<2x128xi32, #tpu.memory_space<vmem>> -> memref<1x128xi32, #tpu.memory_space<vmem>>
    %dma_start3A_10 = tpu.memref_squeeze %dma_start3A_9 : memref<1x128xi32, #tpu.memory_space<vmem>> -> memref<128xi32, #tpu.memory_space<vmem>>
    %dma_start3A_11 = arith.constant 0 : i32
    %dma_start3A_12 = arith.constant 0 : i32
    %dma_start3A_13 = tpu.memref_slice %arg2[%dma_start3A_11, %dma_start3A_12] : memref<8192x32xf32, #tpu.memory_space<hbm>> -> memref<8192x32xf32, #tpu.memory_space<hbm>>
    tpu.enqueue_indirect_dma source(%dma_start3A_13 : memref<8192x32xf32, #tpu.memory_space<hbm>>) target(%dma_start3A_7 : memref<128x32xf32, #tpu.memory_space<vmem>>) offsets(%dma_start3A_10 : memref<128xi32, #tpu.memory_space<vmem>>) semaphore(%arg7 : memref<!tpu.dma_semaphore, #tpu.memory_space<semaphore_mem>>)
    %dma_start3A_14 = arith.constant 1 : i32
    %dma_start3A_15 = arith.constant 1 : i32
    %dma_start3A_16 = arith.constant 0 : i32
    %dma_start3A_17 = arith.constant 0 : i32
    %dma_start3A_18 = tpu.memref_slice %arg6[%dma_start3A_15, %dma_start3A_16, %dma_start3A_17] : memref<2x128x32xf32, #tpu.memory_space<vmem>> -> memref<1x128x32xf32, #tpu.memory_space<vmem>>
    %dma_start3A_19 = tpu.memref_squeeze %dma_start3A_18 : memref<1x128x32xf32, #tpu.memory_space<vmem>> -> memref<128x32xf32, #tpu.memory_space<vmem>>
    %dma_start3A_20 = arith.constant 0 : i32
    %dma_start3A_21 = tpu.memref_slice %arg5[%dma_start3A_14, %dma_start3A_20] : memref<2x128xi32, #tpu.memory_space<vmem>> -> memref<1x128xi32, #tpu.memory_space<vmem>>
    %dma_start3A_22 = tpu.memref_squeeze %dma_start3A_21 : memref<1x128xi32, #tpu.memory_space<vmem>> -> memref<128xi32, #tpu.memory_space<vmem>>
    %dma_start3A_23 = arith.constant 0 : i32
    %dma_start3A_24 = arith.constant 0 : i32
    %dma_start3A_25 = tpu.memref_slice %arg2[%dma_start3A_23, %dma_start3A_24] : memref<8192x32xf32, #tpu.memory_space<hbm>> -> memref<8192x32xf32, #tpu.memory_space<hbm>>
    tpu.enqueue_indirect_dma source(%dma_start3A_25 : memref<8192x32xf32, #tpu.memory_space<hbm>>) target(%dma_start3A_19 : memref<128x32xf32, #tpu.memory_space<vmem>>) offsets(%dma_start3A_22 : memref<128xi32, #tpu.memory_space<vmem>>) semaphore(%arg7 : memref<!tpu.dma_semaphore, #tpu.memory_space<semaphore_mem>>)
    %dma_wait3A = arith.constant 0 : i32
    %dma_wait3A_26 = arith.constant 0 : i32
    %dma_wait3A_27 = arith.constant 0 : i32
    %dma_wait3A_28 = arith.constant 0 : i32
    %dma_wait3A_29 = tpu.memref_slice %arg6[%dma_wait3A_26, %dma_wait3A_27, %dma_wait3A_28] : memref<2x128x32xf32, #tpu.memory_space<vmem>> -> memref<1x128x32xf32, #tpu.memory_space<vmem>>
    %dma_wait3A_30 = tpu.memref_squeeze %dma_wait3A_29 : memref<1x128x32xf32, #tpu.memory_space<vmem>> -> memref<128x32xf32, #tpu.memory_space<vmem>>
    %dma_wait3A_31 = arith.constant 0 : i32
    %dma_wait3A_32 = tpu.memref_slice %arg5[%dma_wait3A, %dma_wait3A_31] : memref<2x128xi32, #tpu.memory_space<vmem>> -> memref<1x128xi32, #tpu.memory_space<vmem>>
    %dma_wait3A_33 = tpu.memref_squeeze %dma_wait3A_32 : memref<1x128xi32, #tpu.memory_space<vmem>> -> memref<128xi32, #tpu.memory_space<vmem>>
    %dma_wait3A_34 = arith.constant 0 : i32
    %dma_wait3A_35 = arith.constant 0 : i32
    %dma_wait3A_36 = tpu.memref_slice %arg2[%dma_wait3A_34, %dma_wait3A_35] : memref<8192x32xf32, #tpu.memory_space<hbm>> -> memref<8192x32xf32, #tpu.memory_space<hbm>>
    tpu.wait_indirect_dma semaphore(%arg7 : memref<!tpu.dma_semaphore, #tpu.memory_space<semaphore_mem>>) src(%dma_wait3A_36 : memref<8192x32xf32, #tpu.memory_space<hbm>>) dst(%dma_wait3A_30 : memref<128x32xf32, #tpu.memory_space<vmem>>)
    %dma_wait3A_37 = arith.constant 1 : i32
    %dma_wait3A_38 = arith.constant 1 : i32
    %dma_wait3A_39 = arith.constant 0 : i32
    %dma_wait3A_40 = arith.constant 0 : i32
    %dma_wait3A_41 = tpu.memref_slice %arg6[%dma_wait3A_38, %dma_wait3A_39, %dma_wait3A_40] : memref<2x128x32xf32, #tpu.memory_space<vmem>> -> memref<1x128x32xf32, #tpu.memory_space<vmem>>
    %dma_wait3A_42 = tpu.memref_squeeze %dma_wait3A_41 : memref<1x128x32xf32, #tpu.memory_space<vmem>> -> memref<128x32xf32, #tpu.memory_space<vmem>>
    %dma_wait3A_43 = arith.constant 0 : i32
    %dma_wait3A_44 = tpu.memref_slice %arg5[%dma_wait3A_37, %dma_wait3A_43] : memref<2x128xi32, #tpu.memory_space<vmem>> -> memref<1x128xi32, #tpu.memory_space<vmem>>
    %dma_wait3A_45 = tpu.memref_squeeze %dma_wait3A_44 : memref<1x128xi32, #tpu.memory_space<vmem>> -> memref<128xi32, #tpu.memory_space<vmem>>
    %dma_wait3A_46 = arith.constant 0 : i32
    %dma_wait3A_47 = arith.constant 0 : i32
    %dma_wait3A_48 = tpu.memref_slice %arg2[%dma_wait3A_46, %dma_wait3A_47] : memref<8192x32xf32, #tpu.memory_space<hbm>> -> memref<8192x32xf32, #tpu.memory_space<hbm>>
    tpu.wait_indirect_dma semaphore(%arg7 : memref<!tpu.dma_semaphore, #tpu.memory_space<semaphore_mem>>) src(%dma_wait3A_48 : memref<8192x32xf32, #tpu.memory_space<hbm>>) dst(%dma_wait3A_42 : memref<128x32xf32, #tpu.memory_space<vmem>>)
    %add3A_49 = arith.constant 0 : i32
    %add3A_50 = arith.addi %mul3A_2, %add3A_49 : i32
    %run_scoped3A = arith.constant 0 : i32
    "tpu.region"() ({
      %run_scoped3A_54 = tpu.sem_alloc : memref<!tpu.dma_semaphore, #tpu.memory_space<semaphore_mem>>
      %dma_start3A_55 = arith.constant 0 : i32
      %dma_start3A_56 = arith.constant 0 : i32
      %dma_start3A_57 = tpu.memref_slice %arg6[%run_scoped3A, %dma_start3A_55, %dma_start3A_56] : memref<2x128x32xf32, #tpu.memory_space<vmem>> -> memref<1x128x32xf32, #tpu.memory_space<vmem>>
      %dma_start3A_58 = tpu.memref_squeeze %dma_start3A_57 : memref<1x128x32xf32, #tpu.memory_space<vmem>> -> memref<128x32xf32, #tpu.memory_space<vmem>>
      %dma_start3A_59 = arith.constant 0 : i32
      %dma_start3A_60 = tpu.memref_slice %arg4[%add3A_50, %dma_start3A_59] : memref<8192x32xf32, #tpu.memory_space<hbm>> -> memref<128x32xf32, #tpu.memory_space<hbm>>
      %dma_start3A_61 = arith.constant 0 : i32
      %dma_start3A_62 = tpu.memref_slice %arg4[%add3A_50, %dma_start3A_61] : memref<8192x32xf32, #tpu.memory_space<hbm>> -> memref<128x32xf32, #tpu.memory_space<hbm>>
      %dma_start3A_63 = arith.constant 0 : i32
      %dma_start3A_64 = arith.constant 0 : i32
      %dma_start3A_65 = tpu.memref_slice %arg6[%run_scoped3A, %dma_start3A_63, %dma_start3A_64] : memref<2x128x32xf32, #tpu.memory_space<vmem>> -> memref<1x128x32xf32, #tpu.memory_space<vmem>>
      %dma_start3A_66 = tpu.memref_squeeze %dma_start3A_65 : memref<1x128x32xf32, #tpu.memory_space<vmem>> -> memref<128x32xf32, #tpu.memory_space<vmem>>
      tpu.enqueue_dma source(%dma_start3A_66 : memref<128x32xf32, #tpu.memory_space<vmem>>) target(%dma_start3A_62 : memref<128x32xf32, #tpu.memory_space<hbm>>) target_semaphore(%run_scoped3A_54 : memref<!tpu.dma_semaphore, #tpu.memory_space<semaphore_mem>>)
      %dma_wait3A_67 = arith.constant 0 : i32
      %dma_wait3A_68 = arith.constant 0 : i32
      %dma_wait3A_69 = tpu.memref_slice %arg6[%run_scoped3A, %dma_wait3A_67, %dma_wait3A_68] : memref<2x128x32xf32, #tpu.memory_space<vmem>> -> memref<1x128x32xf32, #tpu.memory_space<vmem>>
      %dma_wait3A_70 = tpu.memref_squeeze %dma_wait3A_69 : memref<1x128x32xf32, #tpu.memory_space<vmem>> -> memref<128x32xf32, #tpu.memory_space<vmem>>
      %dma_wait3A_71 = arith.constant 0 : i32
      %dma_wait3A_72 = tpu.memref_slice %arg4[%add3A_50, %dma_wait3A_71] : memref<8192x32xf32, #tpu.memory_space<hbm>> -> memref<128x32xf32, #tpu.memory_space<hbm>>
      %dma_wait3A_73 = arith.constant 0 : i32
      %dma_wait3A_74 = tpu.memref_slice %arg4[%add3A_50, %dma_wait3A_73] : memref<8192x32xf32, #tpu.memory_space<hbm>> -> memref<128x32xf32, #tpu.memory_space<hbm>>
      %dma_wait3A_75 = arith.constant 0 : i32
      %dma_wait3A_76 = arith.constant 0 : i32
      %dma_wait3A_77 = tpu.memref_slice %arg6[%run_scoped3A, %dma_wait3A_75, %dma_wait3A_76] : memref<2x128x32xf32, #tpu.memory_space<vmem>> -> memref<1x128x32xf32, #tpu.memory_space<vmem>>
      %dma_wait3A_78 = tpu.memref_squeeze %dma_wait3A_77 : memref<1x128x32xf32, #tpu.memory_space<vmem>> -> memref<128x32xf32, #tpu.memory_space<vmem>>
      tpu.wait_dma2 semaphore(%run_scoped3A_54 : memref<!tpu.dma_semaphore, #tpu.memory_space<semaphore_mem>>) src(%dma_wait3A_78 : memref<128x32xf32, #tpu.memory_space<vmem>>) dst(%dma_wait3A_74 : memref<128x32xf32, #tpu.memory_space<hbm>>)
      tpu.yield
    }) : () -> ()
    %add3A_51 = arith.constant 128 : i32
    %add3A_52 = arith.addi %mul3A_2, %add3A_51 : i32
    %run_scoped3A_53 = arith.constant 1 : i32
    "tpu.region"() ({
      %run_scoped3A_54 = tpu.sem_alloc : memref<!tpu.dma_semaphore, #tpu.memory_space<semaphore_mem>>
      %dma_start3A_55 = arith.constant 0 : i32
      %dma_start3A_56 = arith.constant 0 : i32
      %dma_start3A_57 = tpu.memref_slice %arg6[%run_scoped3A_53, %dma_start3A_55, %dma_start3A_56] : memref<2x128x32xf32, #tpu.memory_space<vmem>> -> memref<1x128x32xf32, #tpu.memory_space<vmem>>
      %dma_start3A_58 = tpu.memref_squeeze %dma_start3A_57 : memref<1x128x32xf32, #tpu.memory_space<vmem>> -> memref<128x32xf32, #tpu.memory_space<vmem>>
      %dma_start3A_59 = arith.constant 0 : i32
      %dma_start3A_60 = tpu.memref_slice %arg4[%add3A_52, %dma_start3A_59] : memref<8192x32xf32, #tpu.memory_space<hbm>> -> memref<128x32xf32, #tpu.memory_space<hbm>>
      %dma_start3A_61 = arith.constant 0 : i32
      %dma_start3A_62 = tpu.memref_slice %arg4[%add3A_52, %dma_start3A_61] : memref<8192x32xf32, #tpu.memory_space<hbm>> -> memref<128x32xf32, #tpu.memory_space<hbm>>
      %dma_start3A_63 = arith.constant 0 : i32
      %dma_start3A_64 = arith.constant 0 : i32
      %dma_start3A_65 = tpu.memref_slice %arg6[%run_scoped3A_53, %dma_start3A_63, %dma_start3A_64] : memref<2x128x32xf32, #tpu.memory_space<vmem>> -> memref<1x128x32xf32, #tpu.memory_space<vmem>>
      %dma_start3A_66 = tpu.memref_squeeze %dma_start3A_65 : memref<1x128x32xf32, #tpu.memory_space<vmem>> -> memref<128x32xf32, #tpu.memory_space<vmem>>
      tpu.enqueue_dma source(%dma_start3A_66 : memref<128x32xf32, #tpu.memory_space<vmem>>) target(%dma_start3A_62 : memref<128x32xf32, #tpu.memory_space<hbm>>) target_semaphore(%run_scoped3A_54 : memref<!tpu.dma_semaphore, #tpu.memory_space<semaphore_mem>>)
      %dma_wait3A_67 = arith.constant 0 : i32
      %dma_wait3A_68 = arith.constant 0 : i32
      %dma_wait3A_69 = tpu.memref_slice %arg6[%run_scoped3A_53, %dma_wait3A_67, %dma_wait3A_68] : memref<2x128x32xf32, #tpu.memory_space<vmem>> -> memref<1x128x32xf32, #tpu.memory_space<vmem>>
      %dma_wait3A_70 = tpu.memref_squeeze %dma_wait3A_69 : memref<1x128x32xf32, #tpu.memory_space<vmem>> -> memref<128x32xf32, #tpu.memory_space<vmem>>
      %dma_wait3A_71 = arith.constant 0 : i32
      %dma_wait3A_72 = tpu.memref_slice %arg4[%add3A_52, %dma_wait3A_71] : memref<8192x32xf32, #tpu.memory_space<hbm>> -> memref<128x32xf32, #tpu.memory_space<hbm>>
      %dma_wait3A_73 = arith.constant 0 : i32
      %dma_wait3A_74 = tpu.memref_slice %arg4[%add3A_52, %dma_wait3A_73] : memref<8192x32xf32, #tpu.memory_space<hbm>> -> memref<128x32xf32, #tpu.memory_space<hbm>>
      %dma_wait3A_75 = arith.constant 0 : i32
      %dma_wait3A_76 = arith.constant 0 : i32
      %dma_wait3A_77 = tpu.memref_slice %arg6[%run_scoped3A_53, %dma_wait3A_75, %dma_wait3A_76] : memref<2x128x32xf32, #tpu.memory_space<vmem>> -> memref<1x128x32xf32, #tpu.memory_space<vmem>>
      %dma_wait3A_78 = tpu.memref_squeeze %dma_wait3A_77 : memref<1x128x32xf32, #tpu.memory_space<vmem>> -> memref<128x32xf32, #tpu.memory_space<vmem>>
      tpu.wait_dma2 semaphore(%run_scoped3A_54 : memref<!tpu.dma_semaphore, #tpu.memory_space<semaphore_mem>>) src(%dma_wait3A_78 : memref<128x32xf32, #tpu.memory_space<vmem>>) dst(%dma_wait3A_74 : memref<128x32xf32, #tpu.memory_space<hbm>>)
      tpu.yield
    }) : () -> ()
    return
  }
}

module attributes {stable_mosaic.version = 14 : i64} {
  func.func @_argmin_body(%arg0: i32, %arg1: memref<1x32x1024xf32, #tpu.memory_space<vmem>>, %arg2: memref<8192x32xf32, #tpu.memory_space<vmem>>, %arg3: memref<4x2x128xi32, #tpu.memory_space<vmem>>, %arg4: memref<1x1xf32, #tpu.memory_space<vmem>>, %arg5: memref<1x8192xf32, #tpu.memory_space<vmem>>) attributes {dimension_semantics = [#tpu.dimension_semantics<arbitrary>], iteration_bounds = array<i64: 8>, scalar_prefetch = 0 : i64, scratch_operands = 1 : i64, tpu.core_type = #tpu.core_type<tc>, window_params = [{transform_indices = @transform_0, window_bounds = array<i64: 1, 32, 1024>}, {pipeline_mode = #tpu.pipeline_mode<synchronous>, transform_indices = @transform_1, window_bounds = array<i64: 8192, 32>}, {transform_indices = @transform_2, window_bounds = array<i64: 4, 2, 128>}, {pipeline_mode = #tpu.pipeline_mode<synchronous>, transform_indices = @transform_3, window_bounds = array<i64: 1, 1>}]} {
    %eq3A = arith.constant 0 : i32
    %eq3A_0 = arith.cmpi eq, %arg0, %eq3A : i32
    %convert_element_type3A = arith.extui %eq3A_0 : i1 to i32
    %cond3A = arith.constant 0 : i32
    %cond3A_1 = arith.cmpi ne, %convert_element_type3A, %cond3A : i32
    scf.if %cond3A_1 {
      %broadcast_in_dim3A_1089 = arith.constant 1.000000e+00 : f32
      %broadcast_in_dim3A_1090 = vector.broadcast %broadcast_in_dim3A_1089 : f32 to vector<1x32xf32>
      %get3A_1091 = arith.constant 0 : index
      %get3A_1092 = arith.constant 0 : index
      %get3A_1093 = vector.load %arg2[%get3A_1091, %get3A_1092] : memref<8192x32xf32, #tpu.memory_space<vmem>>, vector<8192x32xf32>
      %get3A_1094 = arith.constant 0 : index
      %get3A_1095 = arith.constant 0 : index
      %get3A_1096 = vector.load %arg2[%get3A_1094, %get3A_1095] : memref<8192x32xf32, #tpu.memory_space<vmem>>, vector<8192x32xf32>
      %mul3A_1097 = arith.mulf %get3A_1093, %get3A_1096 : vector<8192x32xf32>
      %dot_general3A_1098 = arith.constant dense<0.000000e+00> : vector<1x8192xf32>
      %dot_general3A_1099 = tpu.matmul %broadcast_in_dim3A_1090, %mul3A_1097, %dot_general3A_1098 {dimension_numbers = #tpu.dot_dimension_numbers<[1], [1], [0], [0], [0, 0, 1, 0], [], []>, transpose_lhs_hint = false} : vector<1x32xf32>, vector<8192x32xf32>, vector<1x8192xf32> -> vector<1x8192xf32>
      %swap3A_1100 = arith.constant 0 : index
      %swap3A_1101 = arith.constant 0 : index
      %swap3A_1102 = vector.load %arg5[%swap3A_1100, %swap3A_1101] : memref<1x8192xf32, #tpu.memory_space<vmem>>, vector<1x8192xf32>
      tpu.vector_store %arg5[%swap3A_1100, %swap3A_1101], %dot_general3A_1099 {strides = array<i32>} : memref<1x8192xf32, #tpu.memory_space<vmem>>, vector<1x8192xf32>,
      %broadcast_in_dim3A_1103 = arith.constant 0.000000e+00 : f32
      %broadcast_in_dim3A_1104 = vector.broadcast %broadcast_in_dim3A_1103 : f32 to vector<1x1xf32>
      %swap3A_1105 = arith.constant 0 : index
      %swap3A_1106 = arith.constant 0 : index
      %swap3A_1107 = vector.load %arg4[%swap3A_1105, %swap3A_1106] : memref<1x1xf32, #tpu.memory_space<vmem>>, vector<1x1xf32>
      tpu.vector_store %arg4[%swap3A_1105, %swap3A_1106], %broadcast_in_dim3A_1104 {strides = array<i32>} : memref<1x1xf32, #tpu.memory_space<vmem>>, vector<1x1xf32>,
    } else {
    }
    %get3A = arith.constant 0 : index
    %get3A_2 = arith.constant 0 : index
    %get3A_3 = arith.constant 0 : index
    %get3A_4 = vector.load %arg1[%get3A, %get3A_2, %get3A_3] : memref<1x32x1024xf32, #tpu.memory_space<vmem>>, vector<1x32x1024xf32>
    %get3A_5 = vector.shape_cast %get3A_4 : vector<1x32x1024xf32> to vector<32x1024xf32>
    %transpose3A = tpu.transpose %get3A_5, [1, 0] : vector<32x1024xf32> -> vector<1024x32xf32>
    %mul3A = arith.mulf %transpose3A, %transpose3A : vector<1024x32xf32>
    %reduce_sum3A = arith.constant dense<0.000000e+00> : vector<1024xf32>
    %reduce_sum3A_6 = vector.multi_reduction <add>, %mul3A, %reduce_sum3A [1] : vector<1024x32xf32> to vector<1024xf32>
    %broadcast_in_dim3A = vector.shape_cast %reduce_sum3A_6 : vector<1024xf32> to vector<1024x1xf32>
    %mul3A_7 = arith.constant 2.000000e+00 : f32
    %mul3A_8 = vector.broadcast %mul3A_7 : f32 to vector<1024x32xf32>
    %mul3A_9 = arith.mulf %transpose3A, %mul3A_8 : vector<1024x32xf32>
    %broadcast_in_dim3A_10 = arith.constant 0x7F800000 : f32
    %broadcast_in_dim3A_11 = vector.broadcast %broadcast_in_dim3A_10 : f32 to vector<1024x128xf32>
    %broadcast_in_dim3A_12 = arith.constant 0 : i32
    %broadcast_in_dim3A_13 = vector.broadcast %broadcast_in_dim3A_12 : i32 to vector<1024x128xi32>
    %iota3A = tpu.iota {dimensions = array<i32: 1>} : vector<1024x128xi32>
    %get3A_14 = arith.constant 0 : index
    %get3A_15 = arith.constant 0 : index
    %get3A_16 = vector.load %arg2[%get3A_14, %get3A_15] : memref<8192x32xf32, #tpu.memory_space<vmem>>, vector<256x32xf32>
    %dot_general3A = arith.constant dense<0.000000e+00> : vector<1024x256xf32>
    %dot_general3A_17 = tpu.matmul %mul3A_9, %get3A_16, %dot_general3A {dimension_numbers = #tpu.dot_dimension_numbers<[1], [1], [0], [0], [0, 0, 1, 0], [], []>, transpose_lhs_hint = false} : vector<1024x32xf32>, vector<256x32xf32>, vector<1024x256xf32> -> vector<1024x256xf32>
    %slice3A = vector.extract_strided_slice %dot_general3A_17 {offsets = [0, 0], sizes = [1024, 128], strides = [1, 1]} : vector<1024x256xf32> to vector<1024x128xf32>
    %sub3A = vector.broadcast %broadcast_in_dim3A : vector<1024x1xf32> to vector<1024x128xf32>
    %sub3A_18 = arith.subf %sub3A, %slice3A : vector<1024x128xf32>
    %get3A_19 = arith.constant 0 : index
    %get3A_20 = arith.constant 0 : index
    %get3A_21 = vector.load %arg5[%get3A_19, %get3A_20] : memref<1x8192xf32, #tpu.memory_space<vmem>>, vector<1x128xf32>
    %add3A = vector.broadcast %get3A_21 : vector<1x128xf32> to vector<1024x128xf32>
    %add3A_22 = arith.addf %sub3A_18, %add3A : vector<1024x128xf32>
    %lt3A = arith.cmpf olt, %add3A_22, %broadcast_in_dim3A_11 : vector<1024x128xf32>
    %select_n3A = arith.select %lt3A, %add3A_22, %broadcast_in_dim3A_11 : vector<1024x128xi1>, vector<1024x128xf32>
    %add3A_23 = arith.constant 0 : i32
    %add3A_24 = vector.broadcast %add3A_23 : i32 to vector<1024x128xi32>
    %add3A_25 = arith.addi %iota3A, %add3A_24 : vector<1024x128xi32>
    %select_n3A_26 = arith.select %lt3A, %add3A_25, %broadcast_in_dim3A_13 : vector<1024x128xi1>, vector<1024x128xi32>
    %slice3A_27 = vector.extract_strided_slice %dot_general3A_17 {offsets = [0, 128], sizes = [1024, 128], strides = [1, 1]} : vector<1024x256xf32> to vector<1024x128xf32>
    %sub3A_28 = vector.broadcast %broadcast_in_dim3A : vector<1024x1xf32> to vector<1024x128xf32>
    %sub3A_29 = arith.subf %sub3A_28, %slice3A_27 : vector<1024x128xf32>
    %get3A_30 = arith.constant 0 : index
    %get3A_31 = arith.constant 128 : index
    %get3A_32 = vector.load %arg5[%get3A_30, %get3A_31] : memref<1x8192xf32, #tpu.memory_space<vmem>>, vector<1x128xf32>
    %add3A_33 = vector.broadcast %get3A_32 : vector<1x128xf32> to vector<1024x128xf32>
    %add3A_34 = arith.addf %sub3A_29, %add3A_33 : vector<1024x128xf32>
    %lt3A_35 = arith.cmpf olt, %add3A_34, %select_n3A : vector<1024x128xf32>
    %select_n3A_36 = arith.select %lt3A_35, %add3A_34, %select_n3A : vector<1024x128xi1>, vector<1024x128xf32>
    %add3A_37 = arith.constant 128 : i32
    %add3A_38 = vector.broadcast %add3A_37 : i32 to vector<1024x128xi32>
    %add3A_39 = arith.addi %iota3A, %add3A_38 : vector<1024x128xi32>
    %select_n3A_40 = arith.select %lt3A_35, %add3A_39, %select_n3A_26 : vector<1024x128xi1>, vector<1024x128xi32>
    %get3A_41 = arith.constant 256 : index
    %get3A_42 = arith.constant 0 : index
    %get3A_43 = vector.load %arg2[%get3A_41, %get3A_42] : memref<8192x32xf32, #tpu.memory_space<vmem>>, vector<256x32xf32>
    %dot_general3A_44 = arith.constant dense<0.000000e+00> : vector<1024x256xf32>
    %dot_general3A_45 = tpu.matmul %mul3A_9, %get3A_43, %dot_general3A_44 {dimension_numbers = #tpu.dot_dimension_numbers<[1], [1], [0], [0], [0, 0, 1, 0], [], []>, transpose_lhs_hint = false} : vector<1024x32xf32>, vector<256x32xf32>, vector<1024x256xf32> -> vector<1024x256xf32>
    %slice3A_46 = vector.extract_strided_slice %dot_general3A_45 {offsets = [0, 0], sizes = [1024, 128], strides = [1, 1]} : vector<1024x256xf32> to vector<1024x128xf32>
    %sub3A_47 = vector.broadcast %broadcast_in_dim3A : vector<1024x1xf32> to vector<1024x128xf32>
    %sub3A_48 = arith.subf %sub3A_47, %slice3A_46 : vector<1024x128xf32>
    %get3A_49 = arith.constant 0 : index
    %get3A_50 = arith.constant 256 : index
    %get3A_51 = vector.load %arg5[%get3A_49, %get3A_50] : memref<1x8192xf32, #tpu.memory_space<vmem>>, vector<1x128xf32>
    %add3A_52 = vector.broadcast %get3A_51 : vector<1x128xf32> to vector<1024x128xf32>
    %add3A_53 = arith.addf %sub3A_48, %add3A_52 : vector<1024x128xf32>
    %lt3A_54 = arith.cmpf olt, %add3A_53, %select_n3A_36 : vector<1024x128xf32>
    %select_n3A_55 = arith.select %lt3A_54, %add3A_53, %select_n3A_36 : vector<1024x128xi1>, vector<1024x128xf32>
    %add3A_56 = arith.constant 256 : i32
    %add3A_57 = vector.broadcast %add3A_56 : i32 to vector<1024x128xi32>
    %add3A_58 = arith.addi %iota3A, %add3A_57 : vector<1024x128xi32>
    %select_n3A_59 = arith.select %lt3A_54, %add3A_58, %select_n3A_40 : vector<1024x128xi1>, vector<1024x128xi32>
    %slice3A_60 = vector.extract_strided_slice %dot_general3A_45 {offsets = [0, 128], sizes = [1024, 128], strides = [1, 1]} : vector<1024x256xf32> to vector<1024x128xf32>
    %sub3A_61 = vector.broadcast %broadcast_in_dim3A : vector<1024x1xf32> to vector<1024x128xf32>
    %sub3A_62 = arith.subf %sub3A_61, %slice3A_60 : vector<1024x128xf32>
    %get3A_63 = arith.constant 0 : index
    %get3A_64 = arith.constant 384 : index
    %get3A_65 = vector.load %arg5[%get3A_63, %get3A_64] : memref<1x8192xf32, #tpu.memory_space<vmem>>, vector<1x128xf32>
    %add3A_66 = vector.broadcast %get3A_65 : vector<1x128xf32> to vector<1024x128xf32>
    %add3A_67 = arith.addf %sub3A_62, %add3A_66 : vector<1024x128xf32>
    %lt3A_68 = arith.cmpf olt, %add3A_67, %select_n3A_55 : vector<1024x128xf32>
    %select_n3A_69 = arith.select %lt3A_68, %add3A_67, %select_n3A_55 : vector<1024x128xi1>, vector<1024x128xf32>
    %add3A_70 = arith.constant 384 : i32
    %add3A_71 = vector.broadcast %add3A_70 : i32 to vector<1024x128xi32>
    %add3A_72 = arith.addi %iota3A, %add3A_71 : vector<1024x128xi32>
    %select_n3A_73 = arith.select %lt3A_68, %add3A_72, %select_n3A_59 : vector<1024x128xi1>, vector<1024x128xi32>
    %get3A_74 = arith.constant 512 : index
    %get3A_75 = arith.constant 0 : index
    %get3A_76 = vector.load %arg2[%get3A_74, %get3A_75] : memref<8192x32xf32, #tpu.memory_space<vmem>>, vector<256x32xf32>
    %dot_general3A_77 = arith.constant dense<0.000000e+00> : vector<1024x256xf32>
    %dot_general3A_78 = tpu.matmul %mul3A_9, %get3A_76, %dot_general3A_77 {dimension_numbers = #tpu.dot_dimension_numbers<[1], [1], [0], [0], [0, 0, 1, 0], [], []>, transpose_lhs_hint = false} : vector<1024x32xf32>, vector<256x32xf32>, vector<1024x256xf32> -> vector<1024x256xf32>
    %slice3A_79 = vector.extract_strided_slice %dot_general3A_78 {offsets = [0, 0], sizes = [1024, 128], strides = [1, 1]} : vector<1024x256xf32> to vector<1024x128xf32>
    %sub3A_80 = vector.broadcast %broadcast_in_dim3A : vector<1024x1xf32> to vector<1024x128xf32>
    %sub3A_81 = arith.subf %sub3A_80, %slice3A_79 : vector<1024x128xf32>
    %get3A_82 = arith.constant 0 : index
    %get3A_83 = arith.constant 512 : index
    %get3A_84 = vector.load %arg5[%get3A_82, %get3A_83] : memref<1x8192xf32, #tpu.memory_space<vmem>>, vector<1x128xf32>
    %add3A_85 = vector.broadcast %get3A_84 : vector<1x128xf32> to vector<1024x128xf32>
    %add3A_86 = arith.addf %sub3A_81, %add3A_85 : vector<1024x128xf32>
    %lt3A_87 = arith.cmpf olt, %add3A_86, %select_n3A_69 : vector<1024x128xf32>
    %select_n3A_88 = arith.select %lt3A_87, %add3A_86, %select_n3A_69 : vector<1024x128xi1>, vector<1024x128xf32>
    %add3A_89 = arith.constant 512 : i32
    %add3A_90 = vector.broadcast %add3A_89 : i32 to vector<1024x128xi32>
    %add3A_91 = arith.addi %iota3A, %add3A_90 : vector<1024x128xi32>
    %select_n3A_92 = arith.select %lt3A_87, %add3A_91, %select_n3A_73 : vector<1024x128xi1>, vector<1024x128xi32>
    %slice3A_93 = vector.extract_strided_slice %dot_general3A_78 {offsets = [0, 128], sizes = [1024, 128], strides = [1, 1]} : vector<1024x256xf32> to vector<1024x128xf32>
    %sub3A_94 = vector.broadcast %broadcast_in_dim3A : vector<1024x1xf32> to vector<1024x128xf32>
    %sub3A_95 = arith.subf %sub3A_94, %slice3A_93 : vector<1024x128xf32>
    %get3A_96 = arith.constant 0 : index
    %get3A_97 = arith.constant 640 : index
    %get3A_98 = vector.load %arg5[%get3A_96, %get3A_97] : memref<1x8192xf32, #tpu.memory_space<vmem>>, vector<1x128xf32>
    %add3A_99 = vector.broadcast %get3A_98 : vector<1x128xf32> to vector<1024x128xf32>
    %add3A_100 = arith.addf %sub3A_95, %add3A_99 : vector<1024x128xf32>
    %lt3A_101 = arith.cmpf olt, %add3A_100, %select_n3A_88 : vector<1024x128xf32>
    %select_n3A_102 = arith.select %lt3A_101, %add3A_100, %select_n3A_88 : vector<1024x128xi1>, vector<1024x128xf32>
    %add3A_103 = arith.constant 640 : i32
    %add3A_104 = vector.broadcast %add3A_103 : i32 to vector<1024x128xi32>
    %add3A_105 = arith.addi %iota3A, %add3A_104 : vector<1024x128xi32>
    %select_n3A_106 = arith.select %lt3A_101, %add3A_105, %select_n3A_92 : vector<1024x128xi1>, vector<1024x128xi32>
    %get3A_107 = arith.constant 768 : index
    %get3A_108 = arith.constant 0 : index
    %get3A_109 = vector.load %arg2[%get3A_107, %get3A_108] : memref<8192x32xf32, #tpu.memory_space<vmem>>, vector<256x32xf32>
    %dot_general3A_110 = arith.constant dense<0.000000e+00> : vector<1024x256xf32>
    %dot_general3A_111 = tpu.matmul %mul3A_9, %get3A_109, %dot_general3A_110 {dimension_numbers = #tpu.dot_dimension_numbers<[1], [1], [0], [0], [0, 0, 1, 0], [], []>, transpose_lhs_hint = false} : vector<1024x32xf32>, vector<256x32xf32>, vector<1024x256xf32> -> vector<1024x256xf32>
    %slice3A_112 = vector.extract_strided_slice %dot_general3A_111 {offsets = [0, 0], sizes = [1024, 128], strides = [1, 1]} : vector<1024x256xf32> to vector<1024x128xf32>
    %sub3A_113 = vector.broadcast %broadcast_in_dim3A : vector<1024x1xf32> to vector<1024x128xf32>
    %sub3A_114 = arith.subf %sub3A_113, %slice3A_112 : vector<1024x128xf32>
    %get3A_115 = arith.constant 0 : index
    %get3A_116 = arith.constant 768 : index
    %get3A_117 = vector.load %arg5[%get3A_115, %get3A_116] : memref<1x8192xf32, #tpu.memory_space<vmem>>, vector<1x128xf32>
    %add3A_118 = vector.broadcast %get3A_117 : vector<1x128xf32> to vector<1024x128xf32>
    %add3A_119 = arith.addf %sub3A_114, %add3A_118 : vector<1024x128xf32>
    %lt3A_120 = arith.cmpf olt, %add3A_119, %select_n3A_102 : vector<1024x128xf32>
    %select_n3A_121 = arith.select %lt3A_120, %add3A_119, %select_n3A_102 : vector<1024x128xi1>, vector<1024x128xf32>
    %add3A_122 = arith.constant 768 : i32
    %add3A_123 = vector.broadcast %add3A_122 : i32 to vector<1024x128xi32>
    %add3A_124 = arith.addi %iota3A, %add3A_123 : vector<1024x128xi32>
    %select_n3A_125 = arith.select %lt3A_120, %add3A_124, %select_n3A_106 : vector<1024x128xi1>, vector<1024x128xi32>
    %slice3A_126 = vector.extract_strided_slice %dot_general3A_111 {offsets = [0, 128], sizes = [1024, 128], strides = [1, 1]} : vector<1024x256xf32> to vector<1024x128xf32>
    %sub3A_127 = vector.broadcast %broadcast_in_dim3A : vector<1024x1xf32> to vector<1024x128xf32>
    %sub3A_128 = arith.subf %sub3A_127, %slice3A_126 : vector<1024x128xf32>
    %get3A_129 = arith.constant 0 : index
    %get3A_130 = arith.constant 896 : index
    %get3A_131 = vector.load %arg5[%get3A_129, %get3A_130] : memref<1x8192xf32, #tpu.memory_space<vmem>>, vector<1x128xf32>
    %add3A_132 = vector.broadcast %get3A_131 : vector<1x128xf32> to vector<1024x128xf32>
    %add3A_133 = arith.addf %sub3A_128, %add3A_132 : vector<1024x128xf32>
    %lt3A_134 = arith.cmpf olt, %add3A_133, %select_n3A_121 : vector<1024x128xf32>
    %select_n3A_135 = arith.select %lt3A_134, %add3A_133, %select_n3A_121 : vector<1024x128xi1>, vector<1024x128xf32>
    %add3A_136 = arith.constant 896 : i32
    %add3A_137 = vector.broadcast %add3A_136 : i32 to vector<1024x128xi32>
    %add3A_138 = arith.addi %iota3A, %add3A_137 : vector<1024x128xi32>
    %select_n3A_139 = arith.select %lt3A_134, %add3A_138, %select_n3A_125 : vector<1024x128xi1>, vector<1024x128xi32>
    %get3A_140 = arith.constant 1024 : index
    %get3A_141 = arith.constant 0 : index
    %get3A_142 = vector.load %arg2[%get3A_140, %get3A_141] : memref<8192x32xf32, #tpu.memory_space<vmem>>, vector<256x32xf32>
    %dot_general3A_143 = arith.constant dense<0.000000e+00> : vector<1024x256xf32>
    %dot_general3A_144 = tpu.matmul %mul3A_9, %get3A_142, %dot_general3A_143 {dimension_numbers = #tpu.dot_dimension_numbers<[1], [1], [0], [0], [0, 0, 1, 0], [], []>, transpose_lhs_hint = false} : vector<1024x32xf32>, vector<256x32xf32>, vector<1024x256xf32> -> vector<1024x256xf32>
    %slice3A_145 = vector.extract_strided_slice %dot_general3A_144 {offsets = [0, 0], sizes = [1024, 128], strides = [1, 1]} : vector<1024x256xf32> to vector<1024x128xf32>
    %sub3A_146 = vector.broadcast %broadcast_in_dim3A : vector<1024x1xf32> to vector<1024x128xf32>
    %sub3A_147 = arith.subf %sub3A_146, %slice3A_145 : vector<1024x128xf32>
    %get3A_148 = arith.constant 0 : index
    %get3A_149 = arith.constant 1024 : index
    %get3A_150 = vector.load %arg5[%get3A_148, %get3A_149] : memref<1x8192xf32, #tpu.memory_space<vmem>>, vector<1x128xf32>
    %add3A_151 = vector.broadcast %get3A_150 : vector<1x128xf32> to vector<1024x128xf32>
    %add3A_152 = arith.addf %sub3A_147, %add3A_151 : vector<1024x128xf32>
    %lt3A_153 = arith.cmpf olt, %add3A_152, %select_n3A_135 : vector<1024x128xf32>
    %select_n3A_154 = arith.select %lt3A_153, %add3A_152, %select_n3A_135 : vector<1024x128xi1>, vector<1024x128xf32>
    %add3A_155 = arith.constant 1024 : i32
    %add3A_156 = vector.broadcast %add3A_155 : i32 to vector<1024x128xi32>
    %add3A_157 = arith.addi %iota3A, %add3A_156 : vector<1024x128xi32>
    %select_n3A_158 = arith.select %lt3A_153, %add3A_157, %select_n3A_139 : vector<1024x128xi1>, vector<1024x128xi32>
    %slice3A_159 = vector.extract_strided_slice %dot_general3A_144 {offsets = [0, 128], sizes = [1024, 128], strides = [1, 1]} : vector<1024x256xf32> to vector<1024x128xf32>
    %sub3A_160 = vector.broadcast %broadcast_in_dim3A : vector<1024x1xf32> to vector<1024x128xf32>
    %sub3A_161 = arith.subf %sub3A_160, %slice3A_159 : vector<1024x128xf32>
    %get3A_162 = arith.constant 0 : index
    %get3A_163 = arith.constant 1152 : index
    %get3A_164 = vector.load %arg5[%get3A_162, %get3A_163] : memref<1x8192xf32, #tpu.memory_space<vmem>>, vector<1x128xf32>
    %add3A_165 = vector.broadcast %get3A_164 : vector<1x128xf32> to vector<1024x128xf32>
    %add3A_166 = arith.addf %sub3A_161, %add3A_165 : vector<1024x128xf32>
    %lt3A_167 = arith.cmpf olt, %add3A_166, %select_n3A_154 : vector<1024x128xf32>
    %select_n3A_168 = arith.select %lt3A_167, %add3A_166, %select_n3A_154 : vector<1024x128xi1>, vector<1024x128xf32>
    %add3A_169 = arith.constant 1152 : i32
    %add3A_170 = vector.broadcast %add3A_169 : i32 to vector<1024x128xi32>
    %add3A_171 = arith.addi %iota3A, %add3A_170 : vector<1024x128xi32>
    %select_n3A_172 = arith.select %lt3A_167, %add3A_171, %select_n3A_158 : vector<1024x128xi1>, vector<1024x128xi32>
    %get3A_173 = arith.constant 1280 : index
    %get3A_174 = arith.constant 0 : index
    %get3A_175 = vector.load %arg2[%get3A_173, %get3A_174] : memref<8192x32xf32, #tpu.memory_space<vmem>>, vector<256x32xf32>
    %dot_general3A_176 = arith.constant dense<0.000000e+00> : vector<1024x256xf32>
    %dot_general3A_177 = tpu.matmul %mul3A_9, %get3A_175, %dot_general3A_176 {dimension_numbers = #tpu.dot_dimension_numbers<[1], [1], [0], [0], [0, 0, 1, 0], [], []>, transpose_lhs_hint = false} : vector<1024x32xf32>, vector<256x32xf32>, vector<1024x256xf32> -> vector<1024x256xf32>
    %slice3A_178 = vector.extract_strided_slice %dot_general3A_177 {offsets = [0, 0], sizes = [1024, 128], strides = [1, 1]} : vector<1024x256xf32> to vector<1024x128xf32>
    %sub3A_179 = vector.broadcast %broadcast_in_dim3A : vector<1024x1xf32> to vector<1024x128xf32>
    %sub3A_180 = arith.subf %sub3A_179, %slice3A_178 : vector<1024x128xf32>
    %get3A_181 = arith.constant 0 : index
    %get3A_182 = arith.constant 1280 : index
    %get3A_183 = vector.load %arg5[%get3A_181, %get3A_182] : memref<1x8192xf32, #tpu.memory_space<vmem>>, vector<1x128xf32>
    %add3A_184 = vector.broadcast %get3A_183 : vector<1x128xf32> to vector<1024x128xf32>
    %add3A_185 = arith.addf %sub3A_180, %add3A_184 : vector<1024x128xf32>
    %lt3A_186 = arith.cmpf olt, %add3A_185, %select_n3A_168 : vector<1024x128xf32>
    %select_n3A_187 = arith.select %lt3A_186, %add3A_185, %select_n3A_168 : vector<1024x128xi1>, vector<1024x128xf32>
    %add3A_188 = arith.constant 1280 : i32
    %add3A_189 = vector.broadcast %add3A_188 : i32 to vector<1024x128xi32>
    %add3A_190 = arith.addi %iota3A, %add3A_189 : vector<1024x128xi32>
    %select_n3A_191 = arith.select %lt3A_186, %add3A_190, %select_n3A_172 : vector<1024x128xi1>, vector<1024x128xi32>
    %slice3A_192 = vector.extract_strided_slice %dot_general3A_177 {offsets = [0, 128], sizes = [1024, 128], strides = [1, 1]} : vector<1024x256xf32> to vector<1024x128xf32>
    %sub3A_193 = vector.broadcast %broadcast_in_dim3A : vector<1024x1xf32> to vector<1024x128xf32>
    %sub3A_194 = arith.subf %sub3A_193, %slice3A_192 : vector<1024x128xf32>
    %get3A_195 = arith.constant 0 : index
    %get3A_196 = arith.constant 1408 : index
    %get3A_197 = vector.load %arg5[%get3A_195, %get3A_196] : memref<1x8192xf32, #tpu.memory_space<vmem>>, vector<1x128xf32>
    %add3A_198 = vector.broadcast %get3A_197 : vector<1x128xf32> to vector<1024x128xf32>
    %add3A_199 = arith.addf %sub3A_194, %add3A_198 : vector<1024x128xf32>
    %lt3A_200 = arith.cmpf olt, %add3A_199, %select_n3A_187 : vector<1024x128xf32>
    %select_n3A_201 = arith.select %lt3A_200, %add3A_199, %select_n3A_187 : vector<1024x128xi1>, vector<1024x128xf32>
    %add3A_202 = arith.constant 1408 : i32
    %add3A_203 = vector.broadcast %add3A_202 : i32 to vector<1024x128xi32>
    %add3A_204 = arith.addi %iota3A, %add3A_203 : vector<1024x128xi32>
    %select_n3A_205 = arith.select %lt3A_200, %add3A_204, %select_n3A_191 : vector<1024x128xi1>, vector<1024x128xi32>
    %get3A_206 = arith.constant 1536 : index
    %get3A_207 = arith.constant 0 : index
    %get3A_208 = vector.load %arg2[%get3A_206, %get3A_207] : memref<8192x32xf32, #tpu.memory_space<vmem>>, vector<256x32xf32>
    %dot_general3A_209 = arith.constant dense<0.000000e+00> : vector<1024x256xf32>
    %dot_general3A_210 = tpu.matmul %mul3A_9, %get3A_208, %dot_general3A_209 {dimension_numbers = #tpu.dot_dimension_numbers<[1], [1], [0], [0], [0, 0, 1, 0], [], []>, transpose_lhs_hint = false} : vector<1024x32xf32>, vector<256x32xf32>, vector<1024x256xf32> -> vector<1024x256xf32>
    %slice3A_211 = vector.extract_strided_slice %dot_general3A_210 {offsets = [0, 0], sizes = [1024, 128], strides = [1, 1]} : vector<1024x256xf32> to vector<1024x128xf32>
    %sub3A_212 = vector.broadcast %broadcast_in_dim3A : vector<1024x1xf32> to vector<1024x128xf32>
    %sub3A_213 = arith.subf %sub3A_212, %slice3A_211 : vector<1024x128xf32>
    %get3A_214 = arith.constant 0 : index
    %get3A_215 = arith.constant 1536 : index
    %get3A_216 = vector.load %arg5[%get3A_214, %get3A_215] : memref<1x8192xf32, #tpu.memory_space<vmem>>, vector<1x128xf32>
    %add3A_217 = vector.broadcast %get3A_216 : vector<1x128xf32> to vector<1024x128xf32>
    %add3A_218 = arith.addf %sub3A_213, %add3A_217 : vector<1024x128xf32>
    %lt3A_219 = arith.cmpf olt, %add3A_218, %select_n3A_201 : vector<1024x128xf32>
    %select_n3A_220 = arith.select %lt3A_219, %add3A_218, %select_n3A_201 : vector<1024x128xi1>, vector<1024x128xf32>
    %add3A_221 = arith.constant 1536 : i32
    %add3A_222 = vector.broadcast %add3A_221 : i32 to vector<1024x128xi32>
    %add3A_223 = arith.addi %iota3A, %add3A_222 : vector<1024x128xi32>
    %select_n3A_224 = arith.select %lt3A_219, %add3A_223, %select_n3A_205 : vector<1024x128xi1>, vector<1024x128xi32>
    %slice3A_225 = vector.extract_strided_slice %dot_general3A_210 {offsets = [0, 128], sizes = [1024, 128], strides = [1, 1]} : vector<1024x256xf32> to vector<1024x128xf32>
    %sub3A_226 = vector.broadcast %broadcast_in_dim3A : vector<1024x1xf32> to vector<1024x128xf32>
    %sub3A_227 = arith.subf %sub3A_226, %slice3A_225 : vector<1024x128xf32>
    %get3A_228 = arith.constant 0 : index
    %get3A_229 = arith.constant 1664 : index
    %get3A_230 = vector.load %arg5[%get3A_228, %get3A_229] : memref<1x8192xf32, #tpu.memory_space<vmem>>, vector<1x128xf32>
    %add3A_231 = vector.broadcast %get3A_230 : vector<1x128xf32> to vector<1024x128xf32>
    %add3A_232 = arith.addf %sub3A_227, %add3A_231 : vector<1024x128xf32>
    %lt3A_233 = arith.cmpf olt, %add3A_232, %select_n3A_220 : vector<1024x128xf32>
    %select_n3A_234 = arith.select %lt3A_233, %add3A_232, %select_n3A_220 : vector<1024x128xi1>, vector<1024x128xf32>
    %add3A_235 = arith.constant 1664 : i32
    %add3A_236 = vector.broadcast %add3A_235 : i32 to vector<1024x128xi32>
    %add3A_237 = arith.addi %iota3A, %add3A_236 : vector<1024x128xi32>
    %select_n3A_238 = arith.select %lt3A_233, %add3A_237, %select_n3A_224 : vector<1024x128xi1>, vector<1024x128xi32>
    %get3A_239 = arith.constant 1792 : index
    %get3A_240 = arith.constant 0 : index
    %get3A_241 = vector.load %arg2[%get3A_239, %get3A_240] : memref<8192x32xf32, #tpu.memory_space<vmem>>, vector<256x32xf32>
    %dot_general3A_242 = arith.constant dense<0.000000e+00> : vector<1024x256xf32>
    %dot_general3A_243 = tpu.matmul %mul3A_9, %get3A_241, %dot_general3A_242 {dimension_numbers = #tpu.dot_dimension_numbers<[1], [1], [0], [0], [0, 0, 1, 0], [], []>, transpose_lhs_hint = false} : vector<1024x32xf32>, vector<256x32xf32>, vector<1024x256xf32> -> vector<1024x256xf32>
    %slice3A_244 = vector.extract_strided_slice %dot_general3A_243 {offsets = [0, 0], sizes = [1024, 128], strides = [1, 1]} : vector<1024x256xf32> to vector<1024x128xf32>
    %sub3A_245 = vector.broadcast %broadcast_in_dim3A : vector<1024x1xf32> to vector<1024x128xf32>
    %sub3A_246 = arith.subf %sub3A_245, %slice3A_244 : vector<1024x128xf32>
    %get3A_247 = arith.constant 0 : index
    %get3A_248 = arith.constant 1792 : index
    %get3A_249 = vector.load %arg5[%get3A_247, %get3A_248] : memref<1x8192xf32, #tpu.memory_space<vmem>>, vector<1x128xf32>
    %add3A_250 = vector.broadcast %get3A_249 : vector<1x128xf32> to vector<1024x128xf32>
    %add3A_251 = arith.addf %sub3A_246, %add3A_250 : vector<1024x128xf32>
    %lt3A_252 = arith.cmpf olt, %add3A_251, %select_n3A_234 : vector<1024x128xf32>
    %select_n3A_253 = arith.select %lt3A_252, %add3A_251, %select_n3A_234 : vector<1024x128xi1>, vector<1024x128xf32>
    %add3A_254 = arith.constant 1792 : i32
    %add3A_255 = vector.broadcast %add3A_254 : i32 to vector<1024x128xi32>
    %add3A_256 = arith.addi %iota3A, %add3A_255 : vector<1024x128xi32>
    %select_n3A_257 = arith.select %lt3A_252, %add3A_256, %select_n3A_238 : vector<1024x128xi1>, vector<1024x128xi32>
    %slice3A_258 = vector.extract_strided_slice %dot_general3A_243 {offsets = [0, 128], sizes = [1024, 128], strides = [1, 1]} : vector<1024x256xf32> to vector<1024x128xf32>
    %sub3A_259 = vector.broadcast %broadcast_in_dim3A : vector<1024x1xf32> to vector<1024x128xf32>
    %sub3A_260 = arith.subf %sub3A_259, %slice3A_258 : vector<1024x128xf32>
    %get3A_261 = arith.constant 0 : index
    %get3A_262 = arith.constant 1920 : index
    %get3A_263 = vector.load %arg5[%get3A_261, %get3A_262] : memref<1x8192xf32, #tpu.memory_space<vmem>>, vector<1x128xf32>
    %add3A_264 = vector.broadcast %get3A_263 : vector<1x128xf32> to vector<1024x128xf32>
    %add3A_265 = arith.addf %sub3A_260, %add3A_264 : vector<1024x128xf32>
    %lt3A_266 = arith.cmpf olt, %add3A_265, %select_n3A_253 : vector<1024x128xf32>
    %select_n3A_267 = arith.select %lt3A_266, %add3A_265, %select_n3A_253 : vector<1024x128xi1>, vector<1024x128xf32>
    %add3A_268 = arith.constant 1920 : i32
    %add3A_269 = vector.broadcast %add3A_268 : i32 to vector<1024x128xi32>
    %add3A_270 = arith.addi %iota3A, %add3A_269 : vector<1024x128xi32>
    %select_n3A_271 = arith.select %lt3A_266, %add3A_270, %select_n3A_257 : vector<1024x128xi1>, vector<1024x128xi32>
    %get3A_272 = arith.constant 2048 : index
    %get3A_273 = arith.constant 0 : index
    %get3A_274 = vector.load %arg2[%get3A_272, %get3A_273] : memref<8192x32xf32, #tpu.memory_space<vmem>>, vector<256x32xf32>
    %dot_general3A_275 = arith.constant dense<0.000000e+00> : vector<1024x256xf32>
    %dot_general3A_276 = tpu.matmul %mul3A_9, %get3A_274, %dot_general3A_275 {dimension_numbers = #tpu.dot_dimension_numbers<[1], [1], [0], [0], [0, 0, 1, 0], [], []>, transpose_lhs_hint = false} : vector<1024x32xf32>, vector<256x32xf32>, vector<1024x256xf32> -> vector<1024x256xf32>
    %slice3A_277 = vector.extract_strided_slice %dot_general3A_276 {offsets = [0, 0], sizes = [1024, 128], strides = [1, 1]} : vector<1024x256xf32> to vector<1024x128xf32>
    %sub3A_278 = vector.broadcast %broadcast_in_dim3A : vector<1024x1xf32> to vector<1024x128xf32>
    %sub3A_279 = arith.subf %sub3A_278, %slice3A_277 : vector<1024x128xf32>
    %get3A_280 = arith.constant 0 : index
    %get3A_281 = arith.constant 2048 : index
    %get3A_282 = vector.load %arg5[%get3A_280, %get3A_281] : memref<1x8192xf32, #tpu.memory_space<vmem>>, vector<1x128xf32>
    %add3A_283 = vector.broadcast %get3A_282 : vector<1x128xf32> to vector<1024x128xf32>
    %add3A_284 = arith.addf %sub3A_279, %add3A_283 : vector<1024x128xf32>
    %lt3A_285 = arith.cmpf olt, %add3A_284, %select_n3A_267 : vector<1024x128xf32>
    %select_n3A_286 = arith.select %lt3A_285, %add3A_284, %select_n3A_267 : vector<1024x128xi1>, vector<1024x128xf32>
    %add3A_287 = arith.constant 2048 : i32
    %add3A_288 = vector.broadcast %add3A_287 : i32 to vector<1024x128xi32>
    %add3A_289 = arith.addi %iota3A, %add3A_288 : vector<1024x128xi32>
    %select_n3A_290 = arith.select %lt3A_285, %add3A_289, %select_n3A_271 : vector<1024x128xi1>, vector<1024x128xi32>
    %slice3A_291 = vector.extract_strided_slice %dot_general3A_276 {offsets = [0, 128], sizes = [1024, 128], strides = [1, 1]} : vector<1024x256xf32> to vector<1024x128xf32>
    %sub3A_292 = vector.broadcast %broadcast_in_dim3A : vector<1024x1xf32> to vector<1024x128xf32>
    %sub3A_293 = arith.subf %sub3A_292, %slice3A_291 : vector<1024x128xf32>
    %get3A_294 = arith.constant 0 : index
    %get3A_295 = arith.constant 2176 : index
    %get3A_296 = vector.load %arg5[%get3A_294, %get3A_295] : memref<1x8192xf32, #tpu.memory_space<vmem>>, vector<1x128xf32>
    %add3A_297 = vector.broadcast %get3A_296 : vector<1x128xf32> to vector<1024x128xf32>
    %add3A_298 = arith.addf %sub3A_293, %add3A_297 : vector<1024x128xf32>
    %lt3A_299 = arith.cmpf olt, %add3A_298, %select_n3A_286 : vector<1024x128xf32>
    %select_n3A_300 = arith.select %lt3A_299, %add3A_298, %select_n3A_286 : vector<1024x128xi1>, vector<1024x128xf32>
    %add3A_301 = arith.constant 2176 : i32
    %add3A_302 = vector.broadcast %add3A_301 : i32 to vector<1024x128xi32>
    %add3A_303 = arith.addi %iota3A, %add3A_302 : vector<1024x128xi32>
    %select_n3A_304 = arith.select %lt3A_299, %add3A_303, %select_n3A_290 : vector<1024x128xi1>, vector<1024x128xi32>
    %get3A_305 = arith.constant 2304 : index
    %get3A_306 = arith.constant 0 : index
    %get3A_307 = vector.load %arg2[%get3A_305, %get3A_306] : memref<8192x32xf32, #tpu.memory_space<vmem>>, vector<256x32xf32>
    %dot_general3A_308 = arith.constant dense<0.000000e+00> : vector<1024x256xf32>
    %dot_general3A_309 = tpu.matmul %mul3A_9, %get3A_307, %dot_general3A_308 {dimension_numbers = #tpu.dot_dimension_numbers<[1], [1], [0], [0], [0, 0, 1, 0], [], []>, transpose_lhs_hint = false} : vector<1024x32xf32>, vector<256x32xf32>, vector<1024x256xf32> -> vector<1024x256xf32>
    %slice3A_310 = vector.extract_strided_slice %dot_general3A_309 {offsets = [0, 0], sizes = [1024, 128], strides = [1, 1]} : vector<1024x256xf32> to vector<1024x128xf32>
    %sub3A_311 = vector.broadcast %broadcast_in_dim3A : vector<1024x1xf32> to vector<1024x128xf32>
    %sub3A_312 = arith.subf %sub3A_311, %slice3A_310 : vector<1024x128xf32>
    %get3A_313 = arith.constant 0 : index
    %get3A_314 = arith.constant 2304 : index
    %get3A_315 = vector.load %arg5[%get3A_313, %get3A_314] : memref<1x8192xf32, #tpu.memory_space<vmem>>, vector<1x128xf32>
    %add3A_316 = vector.broadcast %get3A_315 : vector<1x128xf32> to vector<1024x128xf32>
    %add3A_317 = arith.addf %sub3A_312, %add3A_316 : vector<1024x128xf32>
    %lt3A_318 = arith.cmpf olt, %add3A_317, %select_n3A_300 : vector<1024x128xf32>
    %select_n3A_319 = arith.select %lt3A_318, %add3A_317, %select_n3A_300 : vector<1024x128xi1>, vector<1024x128xf32>
    %add3A_320 = arith.constant 2304 : i32
    %add3A_321 = vector.broadcast %add3A_320 : i32 to vector<1024x128xi32>
    %add3A_322 = arith.addi %iota3A, %add3A_321 : vector<1024x128xi32>
    %select_n3A_323 = arith.select %lt3A_318, %add3A_322, %select_n3A_304 : vector<1024x128xi1>, vector<1024x128xi32>
    %slice3A_324 = vector.extract_strided_slice %dot_general3A_309 {offsets = [0, 128], sizes = [1024, 128], strides = [1, 1]} : vector<1024x256xf32> to vector<1024x128xf32>
    %sub3A_325 = vector.broadcast %broadcast_in_dim3A : vector<1024x1xf32> to vector<1024x128xf32>
    %sub3A_326 = arith.subf %sub3A_325, %slice3A_324 : vector<1024x128xf32>
    %get3A_327 = arith.constant 0 : index
    %get3A_328 = arith.constant 2432 : index
    %get3A_329 = vector.load %arg5[%get3A_327, %get3A_328] : memref<1x8192xf32, #tpu.memory_space<vmem>>, vector<1x128xf32>
    %add3A_330 = vector.broadcast %get3A_329 : vector<1x128xf32> to vector<1024x128xf32>
    %add3A_331 = arith.addf %sub3A_326, %add3A_330 : vector<1024x128xf32>
    %lt3A_332 = arith.cmpf olt, %add3A_331, %select_n3A_319 : vector<1024x128xf32>
    %select_n3A_333 = arith.select %lt3A_332, %add3A_331, %select_n3A_319 : vector<1024x128xi1>, vector<1024x128xf32>
    %add3A_334 = arith.constant 2432 : i32
    %add3A_335 = vector.broadcast %add3A_334 : i32 to vector<1024x128xi32>
    %add3A_336 = arith.addi %iota3A, %add3A_335 : vector<1024x128xi32>
    %select_n3A_337 = arith.select %lt3A_332, %add3A_336, %select_n3A_323 : vector<1024x128xi1>, vector<1024x128xi32>
    %get3A_338 = arith.constant 2560 : index
    %get3A_339 = arith.constant 0 : index
    %get3A_340 = vector.load %arg2[%get3A_338, %get3A_339] : memref<8192x32xf32, #tpu.memory_space<vmem>>, vector<256x32xf32>
    %dot_general3A_341 = arith.constant dense<0.000000e+00> : vector<1024x256xf32>
    %dot_general3A_342 = tpu.matmul %mul3A_9, %get3A_340, %dot_general3A_341 {dimension_numbers = #tpu.dot_dimension_numbers<[1], [1], [0], [0], [0, 0, 1, 0], [], []>, transpose_lhs_hint = false} : vector<1024x32xf32>, vector<256x32xf32>, vector<1024x256xf32> -> vector<1024x256xf32>
    %slice3A_343 = vector.extract_strided_slice %dot_general3A_342 {offsets = [0, 0], sizes = [1024, 128], strides = [1, 1]} : vector<1024x256xf32> to vector<1024x128xf32>
    %sub3A_344 = vector.broadcast %broadcast_in_dim3A : vector<1024x1xf32> to vector<1024x128xf32>
    %sub3A_345 = arith.subf %sub3A_344, %slice3A_343 : vector<1024x128xf32>
    %get3A_346 = arith.constant 0 : index
    %get3A_347 = arith.constant 2560 : index
    %get3A_348 = vector.load %arg5[%get3A_346, %get3A_347] : memref<1x8192xf32, #tpu.memory_space<vmem>>, vector<1x128xf32>
    %add3A_349 = vector.broadcast %get3A_348 : vector<1x128xf32> to vector<1024x128xf32>
    %add3A_350 = arith.addf %sub3A_345, %add3A_349 : vector<1024x128xf32>
    %lt3A_351 = arith.cmpf olt, %add3A_350, %select_n3A_333 : vector<1024x128xf32>
    %select_n3A_352 = arith.select %lt3A_351, %add3A_350, %select_n3A_333 : vector<1024x128xi1>, vector<1024x128xf32>
    %add3A_353 = arith.constant 2560 : i32
    %add3A_354 = vector.broadcast %add3A_353 : i32 to vector<1024x128xi32>
    %add3A_355 = arith.addi %iota3A, %add3A_354 : vector<1024x128xi32>
    %select_n3A_356 = arith.select %lt3A_351, %add3A_355, %select_n3A_337 : vector<1024x128xi1>, vector<1024x128xi32>
    %slice3A_357 = vector.extract_strided_slice %dot_general3A_342 {offsets = [0, 128], sizes = [1024, 128], strides = [1, 1]} : vector<1024x256xf32> to vector<1024x128xf32>
    %sub3A_358 = vector.broadcast %broadcast_in_dim3A : vector<1024x1xf32> to vector<1024x128xf32>
    %sub3A_359 = arith.subf %sub3A_358, %slice3A_357 : vector<1024x128xf32>
    %get3A_360 = arith.constant 0 : index
    %get3A_361 = arith.constant 2688 : index
    %get3A_362 = vector.load %arg5[%get3A_360, %get3A_361] : memref<1x8192xf32, #tpu.memory_space<vmem>>, vector<1x128xf32>
    %add3A_363 = vector.broadcast %get3A_362 : vector<1x128xf32> to vector<1024x128xf32>
    %add3A_364 = arith.addf %sub3A_359, %add3A_363 : vector<1024x128xf32>
    %lt3A_365 = arith.cmpf olt, %add3A_364, %select_n3A_352 : vector<1024x128xf32>
    %select_n3A_366 = arith.select %lt3A_365, %add3A_364, %select_n3A_352 : vector<1024x128xi1>, vector<1024x128xf32>
    %add3A_367 = arith.constant 2688 : i32
    %add3A_368 = vector.broadcast %add3A_367 : i32 to vector<1024x128xi32>
    %add3A_369 = arith.addi %iota3A, %add3A_368 : vector<1024x128xi32>
    %select_n3A_370 = arith.select %lt3A_365, %add3A_369, %select_n3A_356 : vector<1024x128xi1>, vector<1024x128xi32>
    %get3A_371 = arith.constant 2816 : index
    %get3A_372 = arith.constant 0 : index
    %get3A_373 = vector.load %arg2[%get3A_371, %get3A_372] : memref<8192x32xf32, #tpu.memory_space<vmem>>, vector<256x32xf32>
    %dot_general3A_374 = arith.constant dense<0.000000e+00> : vector<1024x256xf32>
    %dot_general3A_375 = tpu.matmul %mul3A_9, %get3A_373, %dot_general3A_374 {dimension_numbers = #tpu.dot_dimension_numbers<[1], [1], [0], [0], [0, 0, 1, 0], [], []>, transpose_lhs_hint = false} : vector<1024x32xf32>, vector<256x32xf32>, vector<1024x256xf32> -> vector<1024x256xf32>
    %slice3A_376 = vector.extract_strided_slice %dot_general3A_375 {offsets = [0, 0], sizes = [1024, 128], strides = [1, 1]} : vector<1024x256xf32> to vector<1024x128xf32>
    %sub3A_377 = vector.broadcast %broadcast_in_dim3A : vector<1024x1xf32> to vector<1024x128xf32>
    %sub3A_378 = arith.subf %sub3A_377, %slice3A_376 : vector<1024x128xf32>
    %get3A_379 = arith.constant 0 : index
    %get3A_380 = arith.constant 2816 : index
    %get3A_381 = vector.load %arg5[%get3A_379, %get3A_380] : memref<1x8192xf32, #tpu.memory_space<vmem>>, vector<1x128xf32>
    %add3A_382 = vector.broadcast %get3A_381 : vector<1x128xf32> to vector<1024x128xf32>
    %add3A_383 = arith.addf %sub3A_378, %add3A_382 : vector<1024x128xf32>
    %lt3A_384 = arith.cmpf olt, %add3A_383, %select_n3A_366 : vector<1024x128xf32>
    %select_n3A_385 = arith.select %lt3A_384, %add3A_383, %select_n3A_366 : vector<1024x128xi1>, vector<1024x128xf32>
    %add3A_386 = arith.constant 2816 : i32
    %add3A_387 = vector.broadcast %add3A_386 : i32 to vector<1024x128xi32>
    %add3A_388 = arith.addi %iota3A, %add3A_387 : vector<1024x128xi32>
    %select_n3A_389 = arith.select %lt3A_384, %add3A_388, %select_n3A_370 : vector<1024x128xi1>, vector<1024x128xi32>
    %slice3A_390 = vector.extract_strided_slice %dot_general3A_375 {offsets = [0, 128], sizes = [1024, 128], strides = [1, 1]} : vector<1024x256xf32> to vector<1024x128xf32>
    %sub3A_391 = vector.broadcast %broadcast_in_dim3A : vector<1024x1xf32> to vector<1024x128xf32>
    %sub3A_392 = arith.subf %sub3A_391, %slice3A_390 : vector<1024x128xf32>
    %get3A_393 = arith.constant 0 : index
    %get3A_394 = arith.constant 2944 : index
    %get3A_395 = vector.load %arg5[%get3A_393, %get3A_394] : memref<1x8192xf32, #tpu.memory_space<vmem>>, vector<1x128xf32>
    %add3A_396 = vector.broadcast %get3A_395 : vector<1x128xf32> to vector<1024x128xf32>
    %add3A_397 = arith.addf %sub3A_392, %add3A_396 : vector<1024x128xf32>
    %lt3A_398 = arith.cmpf olt, %add3A_397, %select_n3A_385 : vector<1024x128xf32>
    %select_n3A_399 = arith.select %lt3A_398, %add3A_397, %select_n3A_385 : vector<1024x128xi1>, vector<1024x128xf32>
    %add3A_400 = arith.constant 2944 : i32
    %add3A_401 = vector.broadcast %add3A_400 : i32 to vector<1024x128xi32>
    %add3A_402 = arith.addi %iota3A, %add3A_401 : vector<1024x128xi32>
    %select_n3A_403 = arith.select %lt3A_398, %add3A_402, %select_n3A_389 : vector<1024x128xi1>, vector<1024x128xi32>
    %get3A_404 = arith.constant 3072 : index
    %get3A_405 = arith.constant 0 : index
    %get3A_406 = vector.load %arg2[%get3A_404, %get3A_405] : memref<8192x32xf32, #tpu.memory_space<vmem>>, vector<256x32xf32>
    %dot_general3A_407 = arith.constant dense<0.000000e+00> : vector<1024x256xf32>
    %dot_general3A_408 = tpu.matmul %mul3A_9, %get3A_406, %dot_general3A_407 {dimension_numbers = #tpu.dot_dimension_numbers<[1], [1], [0], [0], [0, 0, 1, 0], [], []>, transpose_lhs_hint = false} : vector<1024x32xf32>, vector<256x32xf32>, vector<1024x256xf32> -> vector<1024x256xf32>
    %slice3A_409 = vector.extract_strided_slice %dot_general3A_408 {offsets = [0, 0], sizes = [1024, 128], strides = [1, 1]} : vector<1024x256xf32> to vector<1024x128xf32>
    %sub3A_410 = vector.broadcast %broadcast_in_dim3A : vector<1024x1xf32> to vector<1024x128xf32>
    %sub3A_411 = arith.subf %sub3A_410, %slice3A_409 : vector<1024x128xf32>
    %get3A_412 = arith.constant 0 : index
    %get3A_413 = arith.constant 3072 : index
    %get3A_414 = vector.load %arg5[%get3A_412, %get3A_413] : memref<1x8192xf32, #tpu.memory_space<vmem>>, vector<1x128xf32>
    %add3A_415 = vector.broadcast %get3A_414 : vector<1x128xf32> to vector<1024x128xf32>
    %add3A_416 = arith.addf %sub3A_411, %add3A_415 : vector<1024x128xf32>
    %lt3A_417 = arith.cmpf olt, %add3A_416, %select_n3A_399 : vector<1024x128xf32>
    %select_n3A_418 = arith.select %lt3A_417, %add3A_416, %select_n3A_399 : vector<1024x128xi1>, vector<1024x128xf32>
    %add3A_419 = arith.constant 3072 : i32
    %add3A_420 = vector.broadcast %add3A_419 : i32 to vector<1024x128xi32>
    %add3A_421 = arith.addi %iota3A, %add3A_420 : vector<1024x128xi32>
    %select_n3A_422 = arith.select %lt3A_417, %add3A_421, %select_n3A_403 : vector<1024x128xi1>, vector<1024x128xi32>
    %slice3A_423 = vector.extract_strided_slice %dot_general3A_408 {offsets = [0, 128], sizes = [1024, 128], strides = [1, 1]} : vector<1024x256xf32> to vector<1024x128xf32>
    %sub3A_424 = vector.broadcast %broadcast_in_dim3A : vector<1024x1xf32> to vector<1024x128xf32>
    %sub3A_425 = arith.subf %sub3A_424, %slice3A_423 : vector<1024x128xf32>
    %get3A_426 = arith.constant 0 : index
    %get3A_427 = arith.constant 3200 : index
    %get3A_428 = vector.load %arg5[%get3A_426, %get3A_427] : memref<1x8192xf32, #tpu.memory_space<vmem>>, vector<1x128xf32>
    %add3A_429 = vector.broadcast %get3A_428 : vector<1x128xf32> to vector<1024x128xf32>
    %add3A_430 = arith.addf %sub3A_425, %add3A_429 : vector<1024x128xf32>
    %lt3A_431 = arith.cmpf olt, %add3A_430, %select_n3A_418 : vector<1024x128xf32>
    %select_n3A_432 = arith.select %lt3A_431, %add3A_430, %select_n3A_418 : vector<1024x128xi1>, vector<1024x128xf32>
    %add3A_433 = arith.constant 3200 : i32
    %add3A_434 = vector.broadcast %add3A_433 : i32 to vector<1024x128xi32>
    %add3A_435 = arith.addi %iota3A, %add3A_434 : vector<1024x128xi32>
    %select_n3A_436 = arith.select %lt3A_431, %add3A_435, %select_n3A_422 : vector<1024x128xi1>, vector<1024x128xi32>
    %get3A_437 = arith.constant 3328 : index
    %get3A_438 = arith.constant 0 : index
    %get3A_439 = vector.load %arg2[%get3A_437, %get3A_438] : memref<8192x32xf32, #tpu.memory_space<vmem>>, vector<256x32xf32>
    %dot_general3A_440 = arith.constant dense<0.000000e+00> : vector<1024x256xf32>
    %dot_general3A_441 = tpu.matmul %mul3A_9, %get3A_439, %dot_general3A_440 {dimension_numbers = #tpu.dot_dimension_numbers<[1], [1], [0], [0], [0, 0, 1, 0], [], []>, transpose_lhs_hint = false} : vector<1024x32xf32>, vector<256x32xf32>, vector<1024x256xf32> -> vector<1024x256xf32>
    %slice3A_442 = vector.extract_strided_slice %dot_general3A_441 {offsets = [0, 0], sizes = [1024, 128], strides = [1, 1]} : vector<1024x256xf32> to vector<1024x128xf32>
    %sub3A_443 = vector.broadcast %broadcast_in_dim3A : vector<1024x1xf32> to vector<1024x128xf32>
    %sub3A_444 = arith.subf %sub3A_443, %slice3A_442 : vector<1024x128xf32>
    %get3A_445 = arith.constant 0 : index
    %get3A_446 = arith.constant 3328 : index
    %get3A_447 = vector.load %arg5[%get3A_445, %get3A_446] : memref<1x8192xf32, #tpu.memory_space<vmem>>, vector<1x128xf32>
    %add3A_448 = vector.broadcast %get3A_447 : vector<1x128xf32> to vector<1024x128xf32>
    %add3A_449 = arith.addf %sub3A_444, %add3A_448 : vector<1024x128xf32>
    %lt3A_450 = arith.cmpf olt, %add3A_449, %select_n3A_432 : vector<1024x128xf32>
    %select_n3A_451 = arith.select %lt3A_450, %add3A_449, %select_n3A_432 : vector<1024x128xi1>, vector<1024x128xf32>
    %add3A_452 = arith.constant 3328 : i32
    %add3A_453 = vector.broadcast %add3A_452 : i32 to vector<1024x128xi32>
    %add3A_454 = arith.addi %iota3A, %add3A_453 : vector<1024x128xi32>
    %select_n3A_455 = arith.select %lt3A_450, %add3A_454, %select_n3A_436 : vector<1024x128xi1>, vector<1024x128xi32>
    %slice3A_456 = vector.extract_strided_slice %dot_general3A_441 {offsets = [0, 128], sizes = [1024, 128], strides = [1, 1]} : vector<1024x256xf32> to vector<1024x128xf32>
    %sub3A_457 = vector.broadcast %broadcast_in_dim3A : vector<1024x1xf32> to vector<1024x128xf32>
    %sub3A_458 = arith.subf %sub3A_457, %slice3A_456 : vector<1024x128xf32>
    %get3A_459 = arith.constant 0 : index
    %get3A_460 = arith.constant 3456 : index
    %get3A_461 = vector.load %arg5[%get3A_459, %get3A_460] : memref<1x8192xf32, #tpu.memory_space<vmem>>, vector<1x128xf32>
    %add3A_462 = vector.broadcast %get3A_461 : vector<1x128xf32> to vector<1024x128xf32>
    %add3A_463 = arith.addf %sub3A_458, %add3A_462 : vector<1024x128xf32>
    %lt3A_464 = arith.cmpf olt, %add3A_463, %select_n3A_451 : vector<1024x128xf32>
    %select_n3A_465 = arith.select %lt3A_464, %add3A_463, %select_n3A_451 : vector<1024x128xi1>, vector<1024x128xf32>
    %add3A_466 = arith.constant 3456 : i32
    %add3A_467 = vector.broadcast %add3A_466 : i32 to vector<1024x128xi32>
    %add3A_468 = arith.addi %iota3A, %add3A_467 : vector<1024x128xi32>
    %select_n3A_469 = arith.select %lt3A_464, %add3A_468, %select_n3A_455 : vector<1024x128xi1>, vector<1024x128xi32>
    %get3A_470 = arith.constant 3584 : index
    %get3A_471 = arith.constant 0 : index
    %get3A_472 = vector.load %arg2[%get3A_470, %get3A_471] : memref<8192x32xf32, #tpu.memory_space<vmem>>, vector<256x32xf32>
    %dot_general3A_473 = arith.constant dense<0.000000e+00> : vector<1024x256xf32>
    %dot_general3A_474 = tpu.matmul %mul3A_9, %get3A_472, %dot_general3A_473 {dimension_numbers = #tpu.dot_dimension_numbers<[1], [1], [0], [0], [0, 0, 1, 0], [], []>, transpose_lhs_hint = false} : vector<1024x32xf32>, vector<256x32xf32>, vector<1024x256xf32> -> vector<1024x256xf32>
    %slice3A_475 = vector.extract_strided_slice %dot_general3A_474 {offsets = [0, 0], sizes = [1024, 128], strides = [1, 1]} : vector<1024x256xf32> to vector<1024x128xf32>
    %sub3A_476 = vector.broadcast %broadcast_in_dim3A : vector<1024x1xf32> to vector<1024x128xf32>
    %sub3A_477 = arith.subf %sub3A_476, %slice3A_475 : vector<1024x128xf32>
    %get3A_478 = arith.constant 0 : index
    %get3A_479 = arith.constant 3584 : index
    %get3A_480 = vector.load %arg5[%get3A_478, %get3A_479] : memref<1x8192xf32, #tpu.memory_space<vmem>>, vector<1x128xf32>
    %add3A_481 = vector.broadcast %get3A_480 : vector<1x128xf32> to vector<1024x128xf32>
    %add3A_482 = arith.addf %sub3A_477, %add3A_481 : vector<1024x128xf32>
    %lt3A_483 = arith.cmpf olt, %add3A_482, %select_n3A_465 : vector<1024x128xf32>
    %select_n3A_484 = arith.select %lt3A_483, %add3A_482, %select_n3A_465 : vector<1024x128xi1>, vector<1024x128xf32>
    %add3A_485 = arith.constant 3584 : i32
    %add3A_486 = vector.broadcast %add3A_485 : i32 to vector<1024x128xi32>
    %add3A_487 = arith.addi %iota3A, %add3A_486 : vector<1024x128xi32>
    %select_n3A_488 = arith.select %lt3A_483, %add3A_487, %select_n3A_469 : vector<1024x128xi1>, vector<1024x128xi32>
    %slice3A_489 = vector.extract_strided_slice %dot_general3A_474 {offsets = [0, 128], sizes = [1024, 128], strides = [1, 1]} : vector<1024x256xf32> to vector<1024x128xf32>
    %sub3A_490 = vector.broadcast %broadcast_in_dim3A : vector<1024x1xf32> to vector<1024x128xf32>
    %sub3A_491 = arith.subf %sub3A_490, %slice3A_489 : vector<1024x128xf32>
    %get3A_492 = arith.constant 0 : index
    %get3A_493 = arith.constant 3712 : index
    %get3A_494 = vector.load %arg5[%get3A_492, %get3A_493] : memref<1x8192xf32, #tpu.memory_space<vmem>>, vector<1x128xf32>
    %add3A_495 = vector.broadcast %get3A_494 : vector<1x128xf32> to vector<1024x128xf32>
    %add3A_496 = arith.addf %sub3A_491, %add3A_495 : vector<1024x128xf32>
    %lt3A_497 = arith.cmpf olt, %add3A_496, %select_n3A_484 : vector<1024x128xf32>
    %select_n3A_498 = arith.select %lt3A_497, %add3A_496, %select_n3A_484 : vector<1024x128xi1>, vector<1024x128xf32>
    %add3A_499 = arith.constant 3712 : i32
    %add3A_500 = vector.broadcast %add3A_499 : i32 to vector<1024x128xi32>
    %add3A_501 = arith.addi %iota3A, %add3A_500 : vector<1024x128xi32>
    %select_n3A_502 = arith.select %lt3A_497, %add3A_501, %select_n3A_488 : vector<1024x128xi1>, vector<1024x128xi32>
    %get3A_503 = arith.constant 3840 : index
    %get3A_504 = arith.constant 0 : index
    %get3A_505 = vector.load %arg2[%get3A_503, %get3A_504] : memref<8192x32xf32, #tpu.memory_space<vmem>>, vector<256x32xf32>
    %dot_general3A_506 = arith.constant dense<0.000000e+00> : vector<1024x256xf32>
    %dot_general3A_507 = tpu.matmul %mul3A_9, %get3A_505, %dot_general3A_506 {dimension_numbers = #tpu.dot_dimension_numbers<[1], [1], [0], [0], [0, 0, 1, 0], [], []>, transpose_lhs_hint = false} : vector<1024x32xf32>, vector<256x32xf32>, vector<1024x256xf32> -> vector<1024x256xf32>
    %slice3A_508 = vector.extract_strided_slice %dot_general3A_507 {offsets = [0, 0], sizes = [1024, 128], strides = [1, 1]} : vector<1024x256xf32> to vector<1024x128xf32>
    %sub3A_509 = vector.broadcast %broadcast_in_dim3A : vector<1024x1xf32> to vector<1024x128xf32>
    %sub3A_510 = arith.subf %sub3A_509, %slice3A_508 : vector<1024x128xf32>
    %get3A_511 = arith.constant 0 : index
    %get3A_512 = arith.constant 3840 : index
    %get3A_513 = vector.load %arg5[%get3A_511, %get3A_512] : memref<1x8192xf32, #tpu.memory_space<vmem>>, vector<1x128xf32>
    %add3A_514 = vector.broadcast %get3A_513 : vector<1x128xf32> to vector<1024x128xf32>
    %add3A_515 = arith.addf %sub3A_510, %add3A_514 : vector<1024x128xf32>
    %lt3A_516 = arith.cmpf olt, %add3A_515, %select_n3A_498 : vector<1024x128xf32>
    %select_n3A_517 = arith.select %lt3A_516, %add3A_515, %select_n3A_498 : vector<1024x128xi1>, vector<1024x128xf32>
    %add3A_518 = arith.constant 3840 : i32
    %add3A_519 = vector.broadcast %add3A_518 : i32 to vector<1024x128xi32>
    %add3A_520 = arith.addi %iota3A, %add3A_519 : vector<1024x128xi32>
    %select_n3A_521 = arith.select %lt3A_516, %add3A_520, %select_n3A_502 : vector<1024x128xi1>, vector<1024x128xi32>
    %slice3A_522 = vector.extract_strided_slice %dot_general3A_507 {offsets = [0, 128], sizes = [1024, 128], strides = [1, 1]} : vector<1024x256xf32> to vector<1024x128xf32>
    %sub3A_523 = vector.broadcast %broadcast_in_dim3A : vector<1024x1xf32> to vector<1024x128xf32>
    %sub3A_524 = arith.subf %sub3A_523, %slice3A_522 : vector<1024x128xf32>
    %get3A_525 = arith.constant 0 : index
    %get3A_526 = arith.constant 3968 : index
    %get3A_527 = vector.load %arg5[%get3A_525, %get3A_526] : memref<1x8192xf32, #tpu.memory_space<vmem>>, vector<1x128xf32>
    %add3A_528 = vector.broadcast %get3A_527 : vector<1x128xf32> to vector<1024x128xf32>
    %add3A_529 = arith.addf %sub3A_524, %add3A_528 : vector<1024x128xf32>
    %lt3A_530 = arith.cmpf olt, %add3A_529, %select_n3A_517 : vector<1024x128xf32>
    %select_n3A_531 = arith.select %lt3A_530, %add3A_529, %select_n3A_517 : vector<1024x128xi1>, vector<1024x128xf32>
    %add3A_532 = arith.constant 3968 : i32
    %add3A_533 = vector.broadcast %add3A_532 : i32 to vector<1024x128xi32>
    %add3A_534 = arith.addi %iota3A, %add3A_533 : vector<1024x128xi32>
    %select_n3A_535 = arith.select %lt3A_530, %add3A_534, %select_n3A_521 : vector<1024x128xi1>, vector<1024x128xi32>
    %get3A_536 = arith.constant 4096 : index
    %get3A_537 = arith.constant 0 : index
    %get3A_538 = vector.load %arg2[%get3A_536, %get3A_537] : memref<8192x32xf32, #tpu.memory_space<vmem>>, vector<256x32xf32>
    %dot_general3A_539 = arith.constant dense<0.000000e+00> : vector<1024x256xf32>
    %dot_general3A_540 = tpu.matmul %mul3A_9, %get3A_538, %dot_general3A_539 {dimension_numbers = #tpu.dot_dimension_numbers<[1], [1], [0], [0], [0, 0, 1, 0], [], []>, transpose_lhs_hint = false} : vector<1024x32xf32>, vector<256x32xf32>, vector<1024x256xf32> -> vector<1024x256xf32>
    %slice3A_541 = vector.extract_strided_slice %dot_general3A_540 {offsets = [0, 0], sizes = [1024, 128], strides = [1, 1]} : vector<1024x256xf32> to vector<1024x128xf32>
    %sub3A_542 = vector.broadcast %broadcast_in_dim3A : vector<1024x1xf32> to vector<1024x128xf32>
    %sub3A_543 = arith.subf %sub3A_542, %slice3A_541 : vector<1024x128xf32>
    %get3A_544 = arith.constant 0 : index
    %get3A_545 = arith.constant 4096 : index
    %get3A_546 = vector.load %arg5[%get3A_544, %get3A_545] : memref<1x8192xf32, #tpu.memory_space<vmem>>, vector<1x128xf32>
    %add3A_547 = vector.broadcast %get3A_546 : vector<1x128xf32> to vector<1024x128xf32>
    %add3A_548 = arith.addf %sub3A_543, %add3A_547 : vector<1024x128xf32>
    %lt3A_549 = arith.cmpf olt, %add3A_548, %select_n3A_531 : vector<1024x128xf32>
    %select_n3A_550 = arith.select %lt3A_549, %add3A_548, %select_n3A_531 : vector<1024x128xi1>, vector<1024x128xf32>
    %add3A_551 = arith.constant 4096 : i32
    %add3A_552 = vector.broadcast %add3A_551 : i32 to vector<1024x128xi32>
    %add3A_553 = arith.addi %iota3A, %add3A_552 : vector<1024x128xi32>
    %select_n3A_554 = arith.select %lt3A_549, %add3A_553, %select_n3A_535 : vector<1024x128xi1>, vector<1024x128xi32>
    %slice3A_555 = vector.extract_strided_slice %dot_general3A_540 {offsets = [0, 128], sizes = [1024, 128], strides = [1, 1]} : vector<1024x256xf32> to vector<1024x128xf32>
    %sub3A_556 = vector.broadcast %broadcast_in_dim3A : vector<1024x1xf32> to vector<1024x128xf32>
    %sub3A_557 = arith.subf %sub3A_556, %slice3A_555 : vector<1024x128xf32>
    %get3A_558 = arith.constant 0 : index
    %get3A_559 = arith.constant 4224 : index
    %get3A_560 = vector.load %arg5[%get3A_558, %get3A_559] : memref<1x8192xf32, #tpu.memory_space<vmem>>, vector<1x128xf32>
    %add3A_561 = vector.broadcast %get3A_560 : vector<1x128xf32> to vector<1024x128xf32>
    %add3A_562 = arith.addf %sub3A_557, %add3A_561 : vector<1024x128xf32>
    %lt3A_563 = arith.cmpf olt, %add3A_562, %select_n3A_550 : vector<1024x128xf32>
    %select_n3A_564 = arith.select %lt3A_563, %add3A_562, %select_n3A_550 : vector<1024x128xi1>, vector<1024x128xf32>
    %add3A_565 = arith.constant 4224 : i32
    %add3A_566 = vector.broadcast %add3A_565 : i32 to vector<1024x128xi32>
    %add3A_567 = arith.addi %iota3A, %add3A_566 : vector<1024x128xi32>
    %select_n3A_568 = arith.select %lt3A_563, %add3A_567, %select_n3A_554 : vector<1024x128xi1>, vector<1024x128xi32>
    %get3A_569 = arith.constant 4352 : index
    %get3A_570 = arith.constant 0 : index
    %get3A_571 = vector.load %arg2[%get3A_569, %get3A_570] : memref<8192x32xf32, #tpu.memory_space<vmem>>, vector<256x32xf32>
    %dot_general3A_572 = arith.constant dense<0.000000e+00> : vector<1024x256xf32>
    %dot_general3A_573 = tpu.matmul %mul3A_9, %get3A_571, %dot_general3A_572 {dimension_numbers = #tpu.dot_dimension_numbers<[1], [1], [0], [0], [0, 0, 1, 0], [], []>, transpose_lhs_hint = false} : vector<1024x32xf32>, vector<256x32xf32>, vector<1024x256xf32> -> vector<1024x256xf32>
    %slice3A_574 = vector.extract_strided_slice %dot_general3A_573 {offsets = [0, 0], sizes = [1024, 128], strides = [1, 1]} : vector<1024x256xf32> to vector<1024x128xf32>
    %sub3A_575 = vector.broadcast %broadcast_in_dim3A : vector<1024x1xf32> to vector<1024x128xf32>
    %sub3A_576 = arith.subf %sub3A_575, %slice3A_574 : vector<1024x128xf32>
    %get3A_577 = arith.constant 0 : index
    %get3A_578 = arith.constant 4352 : index
    %get3A_579 = vector.load %arg5[%get3A_577, %get3A_578] : memref<1x8192xf32, #tpu.memory_space<vmem>>, vector<1x128xf32>
    %add3A_580 = vector.broadcast %get3A_579 : vector<1x128xf32> to vector<1024x128xf32>
    %add3A_581 = arith.addf %sub3A_576, %add3A_580 : vector<1024x128xf32>
    %lt3A_582 = arith.cmpf olt, %add3A_581, %select_n3A_564 : vector<1024x128xf32>
    %select_n3A_583 = arith.select %lt3A_582, %add3A_581, %select_n3A_564 : vector<1024x128xi1>, vector<1024x128xf32>
    %add3A_584 = arith.constant 4352 : i32
    %add3A_585 = vector.broadcast %add3A_584 : i32 to vector<1024x128xi32>
    %add3A_586 = arith.addi %iota3A, %add3A_585 : vector<1024x128xi32>
    %select_n3A_587 = arith.select %lt3A_582, %add3A_586, %select_n3A_568 : vector<1024x128xi1>, vector<1024x128xi32>
    %slice3A_588 = vector.extract_strided_slice %dot_general3A_573 {offsets = [0, 128], sizes = [1024, 128], strides = [1, 1]} : vector<1024x256xf32> to vector<1024x128xf32>
    %sub3A_589 = vector.broadcast %broadcast_in_dim3A : vector<1024x1xf32> to vector<1024x128xf32>
    %sub3A_590 = arith.subf %sub3A_589, %slice3A_588 : vector<1024x128xf32>
    %get3A_591 = arith.constant 0 : index
    %get3A_592 = arith.constant 4480 : index
    %get3A_593 = vector.load %arg5[%get3A_591, %get3A_592] : memref<1x8192xf32, #tpu.memory_space<vmem>>, vector<1x128xf32>
    %add3A_594 = vector.broadcast %get3A_593 : vector<1x128xf32> to vector<1024x128xf32>
    %add3A_595 = arith.addf %sub3A_590, %add3A_594 : vector<1024x128xf32>
    %lt3A_596 = arith.cmpf olt, %add3A_595, %select_n3A_583 : vector<1024x128xf32>
    %select_n3A_597 = arith.select %lt3A_596, %add3A_595, %select_n3A_583 : vector<1024x128xi1>, vector<1024x128xf32>
    %add3A_598 = arith.constant 4480 : i32
    %add3A_599 = vector.broadcast %add3A_598 : i32 to vector<1024x128xi32>
    %add3A_600 = arith.addi %iota3A, %add3A_599 : vector<1024x128xi32>
    %select_n3A_601 = arith.select %lt3A_596, %add3A_600, %select_n3A_587 : vector<1024x128xi1>, vector<1024x128xi32>
    %get3A_602 = arith.constant 4608 : index
    %get3A_603 = arith.constant 0 : index
    %get3A_604 = vector.load %arg2[%get3A_602, %get3A_603] : memref<8192x32xf32, #tpu.memory_space<vmem>>, vector<256x32xf32>
    %dot_general3A_605 = arith.constant dense<0.000000e+00> : vector<1024x256xf32>
    %dot_general3A_606 = tpu.matmul %mul3A_9, %get3A_604, %dot_general3A_605 {dimension_numbers = #tpu.dot_dimension_numbers<[1], [1], [0], [0], [0, 0, 1, 0], [], []>, transpose_lhs_hint = false} : vector<1024x32xf32>, vector<256x32xf32>, vector<1024x256xf32> -> vector<1024x256xf32>
    %slice3A_607 = vector.extract_strided_slice %dot_general3A_606 {offsets = [0, 0], sizes = [1024, 128], strides = [1, 1]} : vector<1024x256xf32> to vector<1024x128xf32>
    %sub3A_608 = vector.broadcast %broadcast_in_dim3A : vector<1024x1xf32> to vector<1024x128xf32>
    %sub3A_609 = arith.subf %sub3A_608, %slice3A_607 : vector<1024x128xf32>
    %get3A_610 = arith.constant 0 : index
    %get3A_611 = arith.constant 4608 : index
    %get3A_612 = vector.load %arg5[%get3A_610, %get3A_611] : memref<1x8192xf32, #tpu.memory_space<vmem>>, vector<1x128xf32>
    %add3A_613 = vector.broadcast %get3A_612 : vector<1x128xf32> to vector<1024x128xf32>
    %add3A_614 = arith.addf %sub3A_609, %add3A_613 : vector<1024x128xf32>
    %lt3A_615 = arith.cmpf olt, %add3A_614, %select_n3A_597 : vector<1024x128xf32>
    %select_n3A_616 = arith.select %lt3A_615, %add3A_614, %select_n3A_597 : vector<1024x128xi1>, vector<1024x128xf32>
    %add3A_617 = arith.constant 4608 : i32
    %add3A_618 = vector.broadcast %add3A_617 : i32 to vector<1024x128xi32>
    %add3A_619 = arith.addi %iota3A, %add3A_618 : vector<1024x128xi32>
    %select_n3A_620 = arith.select %lt3A_615, %add3A_619, %select_n3A_601 : vector<1024x128xi1>, vector<1024x128xi32>
    %slice3A_621 = vector.extract_strided_slice %dot_general3A_606 {offsets = [0, 128], sizes = [1024, 128], strides = [1, 1]} : vector<1024x256xf32> to vector<1024x128xf32>
    %sub3A_622 = vector.broadcast %broadcast_in_dim3A : vector<1024x1xf32> to vector<1024x128xf32>
    %sub3A_623 = arith.subf %sub3A_622, %slice3A_621 : vector<1024x128xf32>
    %get3A_624 = arith.constant 0 : index
    %get3A_625 = arith.constant 4736 : index
    %get3A_626 = vector.load %arg5[%get3A_624, %get3A_625] : memref<1x8192xf32, #tpu.memory_space<vmem>>, vector<1x128xf32>
    %add3A_627 = vector.broadcast %get3A_626 : vector<1x128xf32> to vector<1024x128xf32>
    %add3A_628 = arith.addf %sub3A_623, %add3A_627 : vector<1024x128xf32>
    %lt3A_629 = arith.cmpf olt, %add3A_628, %select_n3A_616 : vector<1024x128xf32>
    %select_n3A_630 = arith.select %lt3A_629, %add3A_628, %select_n3A_616 : vector<1024x128xi1>, vector<1024x128xf32>
    %add3A_631 = arith.constant 4736 : i32
    %add3A_632 = vector.broadcast %add3A_631 : i32 to vector<1024x128xi32>
    %add3A_633 = arith.addi %iota3A, %add3A_632 : vector<1024x128xi32>
    %select_n3A_634 = arith.select %lt3A_629, %add3A_633, %select_n3A_620 : vector<1024x128xi1>, vector<1024x128xi32>
    %get3A_635 = arith.constant 4864 : index
    %get3A_636 = arith.constant 0 : index
    %get3A_637 = vector.load %arg2[%get3A_635, %get3A_636] : memref<8192x32xf32, #tpu.memory_space<vmem>>, vector<256x32xf32>
    %dot_general3A_638 = arith.constant dense<0.000000e+00> : vector<1024x256xf32>
    %dot_general3A_639 = tpu.matmul %mul3A_9, %get3A_637, %dot_general3A_638 {dimension_numbers = #tpu.dot_dimension_numbers<[1], [1], [0], [0], [0, 0, 1, 0], [], []>, transpose_lhs_hint = false} : vector<1024x32xf32>, vector<256x32xf32>, vector<1024x256xf32> -> vector<1024x256xf32>
    %slice3A_640 = vector.extract_strided_slice %dot_general3A_639 {offsets = [0, 0], sizes = [1024, 128], strides = [1, 1]} : vector<1024x256xf32> to vector<1024x128xf32>
    %sub3A_641 = vector.broadcast %broadcast_in_dim3A : vector<1024x1xf32> to vector<1024x128xf32>
    %sub3A_642 = arith.subf %sub3A_641, %slice3A_640 : vector<1024x128xf32>
    %get3A_643 = arith.constant 0 : index
    %get3A_644 = arith.constant 4864 : index
    %get3A_645 = vector.load %arg5[%get3A_643, %get3A_644] : memref<1x8192xf32, #tpu.memory_space<vmem>>, vector<1x128xf32>
    %add3A_646 = vector.broadcast %get3A_645 : vector<1x128xf32> to vector<1024x128xf32>
    %add3A_647 = arith.addf %sub3A_642, %add3A_646 : vector<1024x128xf32>
    %lt3A_648 = arith.cmpf olt, %add3A_647, %select_n3A_630 : vector<1024x128xf32>
    %select_n3A_649 = arith.select %lt3A_648, %add3A_647, %select_n3A_630 : vector<1024x128xi1>, vector<1024x128xf32>
    %add3A_650 = arith.constant 4864 : i32
    %add3A_651 = vector.broadcast %add3A_650 : i32 to vector<1024x128xi32>
    %add3A_652 = arith.addi %iota3A, %add3A_651 : vector<1024x128xi32>
    %select_n3A_653 = arith.select %lt3A_648, %add3A_652, %select_n3A_634 : vector<1024x128xi1>, vector<1024x128xi32>
    %slice3A_654 = vector.extract_strided_slice %dot_general3A_639 {offsets = [0, 128], sizes = [1024, 128], strides = [1, 1]} : vector<1024x256xf32> to vector<1024x128xf32>
    %sub3A_655 = vector.broadcast %broadcast_in_dim3A : vector<1024x1xf32> to vector<1024x128xf32>
    %sub3A_656 = arith.subf %sub3A_655, %slice3A_654 : vector<1024x128xf32>
    %get3A_657 = arith.constant 0 : index
    %get3A_658 = arith.constant 4992 : index
    %get3A_659 = vector.load %arg5[%get3A_657, %get3A_658] : memref<1x8192xf32, #tpu.memory_space<vmem>>, vector<1x128xf32>
    %add3A_660 = vector.broadcast %get3A_659 : vector<1x128xf32> to vector<1024x128xf32>
    %add3A_661 = arith.addf %sub3A_656, %add3A_660 : vector<1024x128xf32>
    %lt3A_662 = arith.cmpf olt, %add3A_661, %select_n3A_649 : vector<1024x128xf32>
    %select_n3A_663 = arith.select %lt3A_662, %add3A_661, %select_n3A_649 : vector<1024x128xi1>, vector<1024x128xf32>
    %add3A_664 = arith.constant 4992 : i32
    %add3A_665 = vector.broadcast %add3A_664 : i32 to vector<1024x128xi32>
    %add3A_666 = arith.addi %iota3A, %add3A_665 : vector<1024x128xi32>
    %select_n3A_667 = arith.select %lt3A_662, %add3A_666, %select_n3A_653 : vector<1024x128xi1>, vector<1024x128xi32>
    %get3A_668 = arith.constant 5120 : index
    %get3A_669 = arith.constant 0 : index
    %get3A_670 = vector.load %arg2[%get3A_668, %get3A_669] : memref<8192x32xf32, #tpu.memory_space<vmem>>, vector<256x32xf32>
    %dot_general3A_671 = arith.constant dense<0.000000e+00> : vector<1024x256xf32>
    %dot_general3A_672 = tpu.matmul %mul3A_9, %get3A_670, %dot_general3A_671 {dimension_numbers = #tpu.dot_dimension_numbers<[1], [1], [0], [0], [0, 0, 1, 0], [], []>, transpose_lhs_hint = false} : vector<1024x32xf32>, vector<256x32xf32>, vector<1024x256xf32> -> vector<1024x256xf32>
    %slice3A_673 = vector.extract_strided_slice %dot_general3A_672 {offsets = [0, 0], sizes = [1024, 128], strides = [1, 1]} : vector<1024x256xf32> to vector<1024x128xf32>
    %sub3A_674 = vector.broadcast %broadcast_in_dim3A : vector<1024x1xf32> to vector<1024x128xf32>
    %sub3A_675 = arith.subf %sub3A_674, %slice3A_673 : vector<1024x128xf32>
    %get3A_676 = arith.constant 0 : index
    %get3A_677 = arith.constant 5120 : index
    %get3A_678 = vector.load %arg5[%get3A_676, %get3A_677] : memref<1x8192xf32, #tpu.memory_space<vmem>>, vector<1x128xf32>
    %add3A_679 = vector.broadcast %get3A_678 : vector<1x128xf32> to vector<1024x128xf32>
    %add3A_680 = arith.addf %sub3A_675, %add3A_679 : vector<1024x128xf32>
    %lt3A_681 = arith.cmpf olt, %add3A_680, %select_n3A_663 : vector<1024x128xf32>
    %select_n3A_682 = arith.select %lt3A_681, %add3A_680, %select_n3A_663 : vector<1024x128xi1>, vector<1024x128xf32>
    %add3A_683 = arith.constant 5120 : i32
    %add3A_684 = vector.broadcast %add3A_683 : i32 to vector<1024x128xi32>
    %add3A_685 = arith.addi %iota3A, %add3A_684 : vector<1024x128xi32>
    %select_n3A_686 = arith.select %lt3A_681, %add3A_685, %select_n3A_667 : vector<1024x128xi1>, vector<1024x128xi32>
    %slice3A_687 = vector.extract_strided_slice %dot_general3A_672 {offsets = [0, 128], sizes = [1024, 128], strides = [1, 1]} : vector<1024x256xf32> to vector<1024x128xf32>
    %sub3A_688 = vector.broadcast %broadcast_in_dim3A : vector<1024x1xf32> to vector<1024x128xf32>
    %sub3A_689 = arith.subf %sub3A_688, %slice3A_687 : vector<1024x128xf32>
    %get3A_690 = arith.constant 0 : index
    %get3A_691 = arith.constant 5248 : index
    %get3A_692 = vector.load %arg5[%get3A_690, %get3A_691] : memref<1x8192xf32, #tpu.memory_space<vmem>>, vector<1x128xf32>
    %add3A_693 = vector.broadcast %get3A_692 : vector<1x128xf32> to vector<1024x128xf32>
    %add3A_694 = arith.addf %sub3A_689, %add3A_693 : vector<1024x128xf32>
    %lt3A_695 = arith.cmpf olt, %add3A_694, %select_n3A_682 : vector<1024x128xf32>
    %select_n3A_696 = arith.select %lt3A_695, %add3A_694, %select_n3A_682 : vector<1024x128xi1>, vector<1024x128xf32>
    %add3A_697 = arith.constant 5248 : i32
    %add3A_698 = vector.broadcast %add3A_697 : i32 to vector<1024x128xi32>
    %add3A_699 = arith.addi %iota3A, %add3A_698 : vector<1024x128xi32>
    %select_n3A_700 = arith.select %lt3A_695, %add3A_699, %select_n3A_686 : vector<1024x128xi1>, vector<1024x128xi32>
    %get3A_701 = arith.constant 5376 : index
    %get3A_702 = arith.constant 0 : index
    %get3A_703 = vector.load %arg2[%get3A_701, %get3A_702] : memref<8192x32xf32, #tpu.memory_space<vmem>>, vector<256x32xf32>
    %dot_general3A_704 = arith.constant dense<0.000000e+00> : vector<1024x256xf32>
    %dot_general3A_705 = tpu.matmul %mul3A_9, %get3A_703, %dot_general3A_704 {dimension_numbers = #tpu.dot_dimension_numbers<[1], [1], [0], [0], [0, 0, 1, 0], [], []>, transpose_lhs_hint = false} : vector<1024x32xf32>, vector<256x32xf32>, vector<1024x256xf32> -> vector<1024x256xf32>
    %slice3A_706 = vector.extract_strided_slice %dot_general3A_705 {offsets = [0, 0], sizes = [1024, 128], strides = [1, 1]} : vector<1024x256xf32> to vector<1024x128xf32>
    %sub3A_707 = vector.broadcast %broadcast_in_dim3A : vector<1024x1xf32> to vector<1024x128xf32>
    %sub3A_708 = arith.subf %sub3A_707, %slice3A_706 : vector<1024x128xf32>
    %get3A_709 = arith.constant 0 : index
    %get3A_710 = arith.constant 5376 : index
    %get3A_711 = vector.load %arg5[%get3A_709, %get3A_710] : memref<1x8192xf32, #tpu.memory_space<vmem>>, vector<1x128xf32>
    %add3A_712 = vector.broadcast %get3A_711 : vector<1x128xf32> to vector<1024x128xf32>
    %add3A_713 = arith.addf %sub3A_708, %add3A_712 : vector<1024x128xf32>
    %lt3A_714 = arith.cmpf olt, %add3A_713, %select_n3A_696 : vector<1024x128xf32>
    %select_n3A_715 = arith.select %lt3A_714, %add3A_713, %select_n3A_696 : vector<1024x128xi1>, vector<1024x128xf32>
    %add3A_716 = arith.constant 5376 : i32
    %add3A_717 = vector.broadcast %add3A_716 : i32 to vector<1024x128xi32>
    %add3A_718 = arith.addi %iota3A, %add3A_717 : vector<1024x128xi32>
    %select_n3A_719 = arith.select %lt3A_714, %add3A_718, %select_n3A_700 : vector<1024x128xi1>, vector<1024x128xi32>
    %slice3A_720 = vector.extract_strided_slice %dot_general3A_705 {offsets = [0, 128], sizes = [1024, 128], strides = [1, 1]} : vector<1024x256xf32> to vector<1024x128xf32>
    %sub3A_721 = vector.broadcast %broadcast_in_dim3A : vector<1024x1xf32> to vector<1024x128xf32>
    %sub3A_722 = arith.subf %sub3A_721, %slice3A_720 : vector<1024x128xf32>
    %get3A_723 = arith.constant 0 : index
    %get3A_724 = arith.constant 5504 : index
    %get3A_725 = vector.load %arg5[%get3A_723, %get3A_724] : memref<1x8192xf32, #tpu.memory_space<vmem>>, vector<1x128xf32>
    %add3A_726 = vector.broadcast %get3A_725 : vector<1x128xf32> to vector<1024x128xf32>
    %add3A_727 = arith.addf %sub3A_722, %add3A_726 : vector<1024x128xf32>
    %lt3A_728 = arith.cmpf olt, %add3A_727, %select_n3A_715 : vector<1024x128xf32>
    %select_n3A_729 = arith.select %lt3A_728, %add3A_727, %select_n3A_715 : vector<1024x128xi1>, vector<1024x128xf32>
    %add3A_730 = arith.constant 5504 : i32
    %add3A_731 = vector.broadcast %add3A_730 : i32 to vector<1024x128xi32>
    %add3A_732 = arith.addi %iota3A, %add3A_731 : vector<1024x128xi32>
    %select_n3A_733 = arith.select %lt3A_728, %add3A_732, %select_n3A_719 : vector<1024x128xi1>, vector<1024x128xi32>
    %get3A_734 = arith.constant 5632 : index
    %get3A_735 = arith.constant 0 : index
    %get3A_736 = vector.load %arg2[%get3A_734, %get3A_735] : memref<8192x32xf32, #tpu.memory_space<vmem>>, vector<256x32xf32>
    %dot_general3A_737 = arith.constant dense<0.000000e+00> : vector<1024x256xf32>
    %dot_general3A_738 = tpu.matmul %mul3A_9, %get3A_736, %dot_general3A_737 {dimension_numbers = #tpu.dot_dimension_numbers<[1], [1], [0], [0], [0, 0, 1, 0], [], []>, transpose_lhs_hint = false} : vector<1024x32xf32>, vector<256x32xf32>, vector<1024x256xf32> -> vector<1024x256xf32>
    %slice3A_739 = vector.extract_strided_slice %dot_general3A_738 {offsets = [0, 0], sizes = [1024, 128], strides = [1, 1]} : vector<1024x256xf32> to vector<1024x128xf32>
    %sub3A_740 = vector.broadcast %broadcast_in_dim3A : vector<1024x1xf32> to vector<1024x128xf32>
    %sub3A_741 = arith.subf %sub3A_740, %slice3A_739 : vector<1024x128xf32>
    %get3A_742 = arith.constant 0 : index
    %get3A_743 = arith.constant 5632 : index
    %get3A_744 = vector.load %arg5[%get3A_742, %get3A_743] : memref<1x8192xf32, #tpu.memory_space<vmem>>, vector<1x128xf32>
    %add3A_745 = vector.broadcast %get3A_744 : vector<1x128xf32> to vector<1024x128xf32>
    %add3A_746 = arith.addf %sub3A_741, %add3A_745 : vector<1024x128xf32>
    %lt3A_747 = arith.cmpf olt, %add3A_746, %select_n3A_729 : vector<1024x128xf32>
    %select_n3A_748 = arith.select %lt3A_747, %add3A_746, %select_n3A_729 : vector<1024x128xi1>, vector<1024x128xf32>
    %add3A_749 = arith.constant 5632 : i32
    %add3A_750 = vector.broadcast %add3A_749 : i32 to vector<1024x128xi32>
    %add3A_751 = arith.addi %iota3A, %add3A_750 : vector<1024x128xi32>
    %select_n3A_752 = arith.select %lt3A_747, %add3A_751, %select_n3A_733 : vector<1024x128xi1>, vector<1024x128xi32>
    %slice3A_753 = vector.extract_strided_slice %dot_general3A_738 {offsets = [0, 128], sizes = [1024, 128], strides = [1, 1]} : vector<1024x256xf32> to vector<1024x128xf32>
    %sub3A_754 = vector.broadcast %broadcast_in_dim3A : vector<1024x1xf32> to vector<1024x128xf32>
    %sub3A_755 = arith.subf %sub3A_754, %slice3A_753 : vector<1024x128xf32>
    %get3A_756 = arith.constant 0 : index
    %get3A_757 = arith.constant 5760 : index
    %get3A_758 = vector.load %arg5[%get3A_756, %get3A_757] : memref<1x8192xf32, #tpu.memory_space<vmem>>, vector<1x128xf32>
    %add3A_759 = vector.broadcast %get3A_758 : vector<1x128xf32> to vector<1024x128xf32>
    %add3A_760 = arith.addf %sub3A_755, %add3A_759 : vector<1024x128xf32>
    %lt3A_761 = arith.cmpf olt, %add3A_760, %select_n3A_748 : vector<1024x128xf32>
    %select_n3A_762 = arith.select %lt3A_761, %add3A_760, %select_n3A_748 : vector<1024x128xi1>, vector<1024x128xf32>
    %add3A_763 = arith.constant 5760 : i32
    %add3A_764 = vector.broadcast %add3A_763 : i32 to vector<1024x128xi32>
    %add3A_765 = arith.addi %iota3A, %add3A_764 : vector<1024x128xi32>
    %select_n3A_766 = arith.select %lt3A_761, %add3A_765, %select_n3A_752 : vector<1024x128xi1>, vector<1024x128xi32>
    %get3A_767 = arith.constant 5888 : index
    %get3A_768 = arith.constant 0 : index
    %get3A_769 = vector.load %arg2[%get3A_767, %get3A_768] : memref<8192x32xf32, #tpu.memory_space<vmem>>, vector<256x32xf32>
    %dot_general3A_770 = arith.constant dense<0.000000e+00> : vector<1024x256xf32>
    %dot_general3A_771 = tpu.matmul %mul3A_9, %get3A_769, %dot_general3A_770 {dimension_numbers = #tpu.dot_dimension_numbers<[1], [1], [0], [0], [0, 0, 1, 0], [], []>, transpose_lhs_hint = false} : vector<1024x32xf32>, vector<256x32xf32>, vector<1024x256xf32> -> vector<1024x256xf32>
    %slice3A_772 = vector.extract_strided_slice %dot_general3A_771 {offsets = [0, 0], sizes = [1024, 128], strides = [1, 1]} : vector<1024x256xf32> to vector<1024x128xf32>
    %sub3A_773 = vector.broadcast %broadcast_in_dim3A : vector<1024x1xf32> to vector<1024x128xf32>
    %sub3A_774 = arith.subf %sub3A_773, %slice3A_772 : vector<1024x128xf32>
    %get3A_775 = arith.constant 0 : index
    %get3A_776 = arith.constant 5888 : index
    %get3A_777 = vector.load %arg5[%get3A_775, %get3A_776] : memref<1x8192xf32, #tpu.memory_space<vmem>>, vector<1x128xf32>
    %add3A_778 = vector.broadcast %get3A_777 : vector<1x128xf32> to vector<1024x128xf32>
    %add3A_779 = arith.addf %sub3A_774, %add3A_778 : vector<1024x128xf32>
    %lt3A_780 = arith.cmpf olt, %add3A_779, %select_n3A_762 : vector<1024x128xf32>
    %select_n3A_781 = arith.select %lt3A_780, %add3A_779, %select_n3A_762 : vector<1024x128xi1>, vector<1024x128xf32>
    %add3A_782 = arith.constant 5888 : i32
    %add3A_783 = vector.broadcast %add3A_782 : i32 to vector<1024x128xi32>
    %add3A_784 = arith.addi %iota3A, %add3A_783 : vector<1024x128xi32>
    %select_n3A_785 = arith.select %lt3A_780, %add3A_784, %select_n3A_766 : vector<1024x128xi1>, vector<1024x128xi32>
    %slice3A_786 = vector.extract_strided_slice %dot_general3A_771 {offsets = [0, 128], sizes = [1024, 128], strides = [1, 1]} : vector<1024x256xf32> to vector<1024x128xf32>
    %sub3A_787 = vector.broadcast %broadcast_in_dim3A : vector<1024x1xf32> to vector<1024x128xf32>
    %sub3A_788 = arith.subf %sub3A_787, %slice3A_786 : vector<1024x128xf32>
    %get3A_789 = arith.constant 0 : index
    %get3A_790 = arith.constant 6016 : index
    %get3A_791 = vector.load %arg5[%get3A_789, %get3A_790] : memref<1x8192xf32, #tpu.memory_space<vmem>>, vector<1x128xf32>
    %add3A_792 = vector.broadcast %get3A_791 : vector<1x128xf32> to vector<1024x128xf32>
    %add3A_793 = arith.addf %sub3A_788, %add3A_792 : vector<1024x128xf32>
    %lt3A_794 = arith.cmpf olt, %add3A_793, %select_n3A_781 : vector<1024x128xf32>
    %select_n3A_795 = arith.select %lt3A_794, %add3A_793, %select_n3A_781 : vector<1024x128xi1>, vector<1024x128xf32>
    %add3A_796 = arith.constant 6016 : i32
    %add3A_797 = vector.broadcast %add3A_796 : i32 to vector<1024x128xi32>
    %add3A_798 = arith.addi %iota3A, %add3A_797 : vector<1024x128xi32>
    %select_n3A_799 = arith.select %lt3A_794, %add3A_798, %select_n3A_785 : vector<1024x128xi1>, vector<1024x128xi32>
    %get3A_800 = arith.constant 6144 : index
    %get3A_801 = arith.constant 0 : index
    %get3A_802 = vector.load %arg2[%get3A_800, %get3A_801] : memref<8192x32xf32, #tpu.memory_space<vmem>>, vector<256x32xf32>
    %dot_general3A_803 = arith.constant dense<0.000000e+00> : vector<1024x256xf32>
    %dot_general3A_804 = tpu.matmul %mul3A_9, %get3A_802, %dot_general3A_803 {dimension_numbers = #tpu.dot_dimension_numbers<[1], [1], [0], [0], [0, 0, 1, 0], [], []>, transpose_lhs_hint = false} : vector<1024x32xf32>, vector<256x32xf32>, vector<1024x256xf32> -> vector<1024x256xf32>
    %slice3A_805 = vector.extract_strided_slice %dot_general3A_804 {offsets = [0, 0], sizes = [1024, 128], strides = [1, 1]} : vector<1024x256xf32> to vector<1024x128xf32>
    %sub3A_806 = vector.broadcast %broadcast_in_dim3A : vector<1024x1xf32> to vector<1024x128xf32>
    %sub3A_807 = arith.subf %sub3A_806, %slice3A_805 : vector<1024x128xf32>
    %get3A_808 = arith.constant 0 : index
    %get3A_809 = arith.constant 6144 : index
    %get3A_810 = vector.load %arg5[%get3A_808, %get3A_809] : memref<1x8192xf32, #tpu.memory_space<vmem>>, vector<1x128xf32>
    %add3A_811 = vector.broadcast %get3A_810 : vector<1x128xf32> to vector<1024x128xf32>
    %add3A_812 = arith.addf %sub3A_807, %add3A_811 : vector<1024x128xf32>
    %lt3A_813 = arith.cmpf olt, %add3A_812, %select_n3A_795 : vector<1024x128xf32>
    %select_n3A_814 = arith.select %lt3A_813, %add3A_812, %select_n3A_795 : vector<1024x128xi1>, vector<1024x128xf32>
    %add3A_815 = arith.constant 6144 : i32
    %add3A_816 = vector.broadcast %add3A_815 : i32 to vector<1024x128xi32>
    %add3A_817 = arith.addi %iota3A, %add3A_816 : vector<1024x128xi32>
    %select_n3A_818 = arith.select %lt3A_813, %add3A_817, %select_n3A_799 : vector<1024x128xi1>, vector<1024x128xi32>
    %slice3A_819 = vector.extract_strided_slice %dot_general3A_804 {offsets = [0, 128], sizes = [1024, 128], strides = [1, 1]} : vector<1024x256xf32> to vector<1024x128xf32>
    %sub3A_820 = vector.broadcast %broadcast_in_dim3A : vector<1024x1xf32> to vector<1024x128xf32>
    %sub3A_821 = arith.subf %sub3A_820, %slice3A_819 : vector<1024x128xf32>
    %get3A_822 = arith.constant 0 : index
    %get3A_823 = arith.constant 6272 : index
    %get3A_824 = vector.load %arg5[%get3A_822, %get3A_823] : memref<1x8192xf32, #tpu.memory_space<vmem>>, vector<1x128xf32>
    %add3A_825 = vector.broadcast %get3A_824 : vector<1x128xf32> to vector<1024x128xf32>
    %add3A_826 = arith.addf %sub3A_821, %add3A_825 : vector<1024x128xf32>
    %lt3A_827 = arith.cmpf olt, %add3A_826, %select_n3A_814 : vector<1024x128xf32>
    %select_n3A_828 = arith.select %lt3A_827, %add3A_826, %select_n3A_814 : vector<1024x128xi1>, vector<1024x128xf32>
    %add3A_829 = arith.constant 6272 : i32
    %add3A_830 = vector.broadcast %add3A_829 : i32 to vector<1024x128xi32>
    %add3A_831 = arith.addi %iota3A, %add3A_830 : vector<1024x128xi32>
    %select_n3A_832 = arith.select %lt3A_827, %add3A_831, %select_n3A_818 : vector<1024x128xi1>, vector<1024x128xi32>
    %get3A_833 = arith.constant 6400 : index
    %get3A_834 = arith.constant 0 : index
    %get3A_835 = vector.load %arg2[%get3A_833, %get3A_834] : memref<8192x32xf32, #tpu.memory_space<vmem>>, vector<256x32xf32>
    %dot_general3A_836 = arith.constant dense<0.000000e+00> : vector<1024x256xf32>
    %dot_general3A_837 = tpu.matmul %mul3A_9, %get3A_835, %dot_general3A_836 {dimension_numbers = #tpu.dot_dimension_numbers<[1], [1], [0], [0], [0, 0, 1, 0], [], []>, transpose_lhs_hint = false} : vector<1024x32xf32>, vector<256x32xf32>, vector<1024x256xf32> -> vector<1024x256xf32>
    %slice3A_838 = vector.extract_strided_slice %dot_general3A_837 {offsets = [0, 0], sizes = [1024, 128], strides = [1, 1]} : vector<1024x256xf32> to vector<1024x128xf32>
    %sub3A_839 = vector.broadcast %broadcast_in_dim3A : vector<1024x1xf32> to vector<1024x128xf32>
    %sub3A_840 = arith.subf %sub3A_839, %slice3A_838 : vector<1024x128xf32>
    %get3A_841 = arith.constant 0 : index
    %get3A_842 = arith.constant 6400 : index
    %get3A_843 = vector.load %arg5[%get3A_841, %get3A_842] : memref<1x8192xf32, #tpu.memory_space<vmem>>, vector<1x128xf32>
    %add3A_844 = vector.broadcast %get3A_843 : vector<1x128xf32> to vector<1024x128xf32>
    %add3A_845 = arith.addf %sub3A_840, %add3A_844 : vector<1024x128xf32>
    %lt3A_846 = arith.cmpf olt, %add3A_845, %select_n3A_828 : vector<1024x128xf32>
    %select_n3A_847 = arith.select %lt3A_846, %add3A_845, %select_n3A_828 : vector<1024x128xi1>, vector<1024x128xf32>
    %add3A_848 = arith.constant 6400 : i32
    %add3A_849 = vector.broadcast %add3A_848 : i32 to vector<1024x128xi32>
    %add3A_850 = arith.addi %iota3A, %add3A_849 : vector<1024x128xi32>
    %select_n3A_851 = arith.select %lt3A_846, %add3A_850, %select_n3A_832 : vector<1024x128xi1>, vector<1024x128xi32>
    %slice3A_852 = vector.extract_strided_slice %dot_general3A_837 {offsets = [0, 128], sizes = [1024, 128], strides = [1, 1]} : vector<1024x256xf32> to vector<1024x128xf32>
    %sub3A_853 = vector.broadcast %broadcast_in_dim3A : vector<1024x1xf32> to vector<1024x128xf32>
    %sub3A_854 = arith.subf %sub3A_853, %slice3A_852 : vector<1024x128xf32>
    %get3A_855 = arith.constant 0 : index
    %get3A_856 = arith.constant 6528 : index
    %get3A_857 = vector.load %arg5[%get3A_855, %get3A_856] : memref<1x8192xf32, #tpu.memory_space<vmem>>, vector<1x128xf32>
    %add3A_858 = vector.broadcast %get3A_857 : vector<1x128xf32> to vector<1024x128xf32>
    %add3A_859 = arith.addf %sub3A_854, %add3A_858 : vector<1024x128xf32>
    %lt3A_860 = arith.cmpf olt, %add3A_859, %select_n3A_847 : vector<1024x128xf32>
    %select_n3A_861 = arith.select %lt3A_860, %add3A_859, %select_n3A_847 : vector<1024x128xi1>, vector<1024x128xf32>
    %add3A_862 = arith.constant 6528 : i32
    %add3A_863 = vector.broadcast %add3A_862 : i32 to vector<1024x128xi32>
    %add3A_864 = arith.addi %iota3A, %add3A_863 : vector<1024x128xi32>
    %select_n3A_865 = arith.select %lt3A_860, %add3A_864, %select_n3A_851 : vector<1024x128xi1>, vector<1024x128xi32>
    %get3A_866 = arith.constant 6656 : index
    %get3A_867 = arith.constant 0 : index
    %get3A_868 = vector.load %arg2[%get3A_866, %get3A_867] : memref<8192x32xf32, #tpu.memory_space<vmem>>, vector<256x32xf32>
    %dot_general3A_869 = arith.constant dense<0.000000e+00> : vector<1024x256xf32>
    %dot_general3A_870 = tpu.matmul %mul3A_9, %get3A_868, %dot_general3A_869 {dimension_numbers = #tpu.dot_dimension_numbers<[1], [1], [0], [0], [0, 0, 1, 0], [], []>, transpose_lhs_hint = false} : vector<1024x32xf32>, vector<256x32xf32>, vector<1024x256xf32> -> vector<1024x256xf32>
    %slice3A_871 = vector.extract_strided_slice %dot_general3A_870 {offsets = [0, 0], sizes = [1024, 128], strides = [1, 1]} : vector<1024x256xf32> to vector<1024x128xf32>
    %sub3A_872 = vector.broadcast %broadcast_in_dim3A : vector<1024x1xf32> to vector<1024x128xf32>
    %sub3A_873 = arith.subf %sub3A_872, %slice3A_871 : vector<1024x128xf32>
    %get3A_874 = arith.constant 0 : index
    %get3A_875 = arith.constant 6656 : index
    %get3A_876 = vector.load %arg5[%get3A_874, %get3A_875] : memref<1x8192xf32, #tpu.memory_space<vmem>>, vector<1x128xf32>
    %add3A_877 = vector.broadcast %get3A_876 : vector<1x128xf32> to vector<1024x128xf32>
    %add3A_878 = arith.addf %sub3A_873, %add3A_877 : vector<1024x128xf32>
    %lt3A_879 = arith.cmpf olt, %add3A_878, %select_n3A_861 : vector<1024x128xf32>
    %select_n3A_880 = arith.select %lt3A_879, %add3A_878, %select_n3A_861 : vector<1024x128xi1>, vector<1024x128xf32>
    %add3A_881 = arith.constant 6656 : i32
    %add3A_882 = vector.broadcast %add3A_881 : i32 to vector<1024x128xi32>
    %add3A_883 = arith.addi %iota3A, %add3A_882 : vector<1024x128xi32>
    %select_n3A_884 = arith.select %lt3A_879, %add3A_883, %select_n3A_865 : vector<1024x128xi1>, vector<1024x128xi32>
    %slice3A_885 = vector.extract_strided_slice %dot_general3A_870 {offsets = [0, 128], sizes = [1024, 128], strides = [1, 1]} : vector<1024x256xf32> to vector<1024x128xf32>
    %sub3A_886 = vector.broadcast %broadcast_in_dim3A : vector<1024x1xf32> to vector<1024x128xf32>
    %sub3A_887 = arith.subf %sub3A_886, %slice3A_885 : vector<1024x128xf32>
    %get3A_888 = arith.constant 0 : index
    %get3A_889 = arith.constant 6784 : index
    %get3A_890 = vector.load %arg5[%get3A_888, %get3A_889] : memref<1x8192xf32, #tpu.memory_space<vmem>>, vector<1x128xf32>
    %add3A_891 = vector.broadcast %get3A_890 : vector<1x128xf32> to vector<1024x128xf32>
    %add3A_892 = arith.addf %sub3A_887, %add3A_891 : vector<1024x128xf32>
    %lt3A_893 = arith.cmpf olt, %add3A_892, %select_n3A_880 : vector<1024x128xf32>
    %select_n3A_894 = arith.select %lt3A_893, %add3A_892, %select_n3A_880 : vector<1024x128xi1>, vector<1024x128xf32>
    %add3A_895 = arith.constant 6784 : i32
    %add3A_896 = vector.broadcast %add3A_895 : i32 to vector<1024x128xi32>
    %add3A_897 = arith.addi %iota3A, %add3A_896 : vector<1024x128xi32>
    %select_n3A_898 = arith.select %lt3A_893, %add3A_897, %select_n3A_884 : vector<1024x128xi1>, vector<1024x128xi32>
    %get3A_899 = arith.constant 6912 : index
    %get3A_900 = arith.constant 0 : index
    %get3A_901 = vector.load %arg2[%get3A_899, %get3A_900] : memref<8192x32xf32, #tpu.memory_space<vmem>>, vector<256x32xf32>
    %dot_general3A_902 = arith.constant dense<0.000000e+00> : vector<1024x256xf32>
    %dot_general3A_903 = tpu.matmul %mul3A_9, %get3A_901, %dot_general3A_902 {dimension_numbers = #tpu.dot_dimension_numbers<[1], [1], [0], [0], [0, 0, 1, 0], [], []>, transpose_lhs_hint = false} : vector<1024x32xf32>, vector<256x32xf32>, vector<1024x256xf32> -> vector<1024x256xf32>
    %slice3A_904 = vector.extract_strided_slice %dot_general3A_903 {offsets = [0, 0], sizes = [1024, 128], strides = [1, 1]} : vector<1024x256xf32> to vector<1024x128xf32>
    %sub3A_905 = vector.broadcast %broadcast_in_dim3A : vector<1024x1xf32> to vector<1024x128xf32>
    %sub3A_906 = arith.subf %sub3A_905, %slice3A_904 : vector<1024x128xf32>
    %get3A_907 = arith.constant 0 : index
    %get3A_908 = arith.constant 6912 : index
    %get3A_909 = vector.load %arg5[%get3A_907, %get3A_908] : memref<1x8192xf32, #tpu.memory_space<vmem>>, vector<1x128xf32>
    %add3A_910 = vector.broadcast %get3A_909 : vector<1x128xf32> to vector<1024x128xf32>
    %add3A_911 = arith.addf %sub3A_906, %add3A_910 : vector<1024x128xf32>
    %lt3A_912 = arith.cmpf olt, %add3A_911, %select_n3A_894 : vector<1024x128xf32>
    %select_n3A_913 = arith.select %lt3A_912, %add3A_911, %select_n3A_894 : vector<1024x128xi1>, vector<1024x128xf32>
    %add3A_914 = arith.constant 6912 : i32
    %add3A_915 = vector.broadcast %add3A_914 : i32 to vector<1024x128xi32>
    %add3A_916 = arith.addi %iota3A, %add3A_915 : vector<1024x128xi32>
    %select_n3A_917 = arith.select %lt3A_912, %add3A_916, %select_n3A_898 : vector<1024x128xi1>, vector<1024x128xi32>
    %slice3A_918 = vector.extract_strided_slice %dot_general3A_903 {offsets = [0, 128], sizes = [1024, 128], strides = [1, 1]} : vector<1024x256xf32> to vector<1024x128xf32>
    %sub3A_919 = vector.broadcast %broadcast_in_dim3A : vector<1024x1xf32> to vector<1024x128xf32>
    %sub3A_920 = arith.subf %sub3A_919, %slice3A_918 : vector<1024x128xf32>
    %get3A_921 = arith.constant 0 : index
    %get3A_922 = arith.constant 7040 : index
    %get3A_923 = vector.load %arg5[%get3A_921, %get3A_922] : memref<1x8192xf32, #tpu.memory_space<vmem>>, vector<1x128xf32>
    %add3A_924 = vector.broadcast %get3A_923 : vector<1x128xf32> to vector<1024x128xf32>
    %add3A_925 = arith.addf %sub3A_920, %add3A_924 : vector<1024x128xf32>
    %lt3A_926 = arith.cmpf olt, %add3A_925, %select_n3A_913 : vector<1024x128xf32>
    %select_n3A_927 = arith.select %lt3A_926, %add3A_925, %select_n3A_913 : vector<1024x128xi1>, vector<1024x128xf32>
    %add3A_928 = arith.constant 7040 : i32
    %add3A_929 = vector.broadcast %add3A_928 : i32 to vector<1024x128xi32>
    %add3A_930 = arith.addi %iota3A, %add3A_929 : vector<1024x128xi32>
    %select_n3A_931 = arith.select %lt3A_926, %add3A_930, %select_n3A_917 : vector<1024x128xi1>, vector<1024x128xi32>
    %get3A_932 = arith.constant 7168 : index
    %get3A_933 = arith.constant 0 : index
    %get3A_934 = vector.load %arg2[%get3A_932, %get3A_933] : memref<8192x32xf32, #tpu.memory_space<vmem>>, vector<256x32xf32>
    %dot_general3A_935 = arith.constant dense<0.000000e+00> : vector<1024x256xf32>
    %dot_general3A_936 = tpu.matmul %mul3A_9, %get3A_934, %dot_general3A_935 {dimension_numbers = #tpu.dot_dimension_numbers<[1], [1], [0], [0], [0, 0, 1, 0], [], []>, transpose_lhs_hint = false} : vector<1024x32xf32>, vector<256x32xf32>, vector<1024x256xf32> -> vector<1024x256xf32>
    %slice3A_937 = vector.extract_strided_slice %dot_general3A_936 {offsets = [0, 0], sizes = [1024, 128], strides = [1, 1]} : vector<1024x256xf32> to vector<1024x128xf32>
    %sub3A_938 = vector.broadcast %broadcast_in_dim3A : vector<1024x1xf32> to vector<1024x128xf32>
    %sub3A_939 = arith.subf %sub3A_938, %slice3A_937 : vector<1024x128xf32>
    %get3A_940 = arith.constant 0 : index
    %get3A_941 = arith.constant 7168 : index
    %get3A_942 = vector.load %arg5[%get3A_940, %get3A_941] : memref<1x8192xf32, #tpu.memory_space<vmem>>, vector<1x128xf32>
    %add3A_943 = vector.broadcast %get3A_942 : vector<1x128xf32> to vector<1024x128xf32>
    %add3A_944 = arith.addf %sub3A_939, %add3A_943 : vector<1024x128xf32>
    %lt3A_945 = arith.cmpf olt, %add3A_944, %select_n3A_927 : vector<1024x128xf32>
    %select_n3A_946 = arith.select %lt3A_945, %add3A_944, %select_n3A_927 : vector<1024x128xi1>, vector<1024x128xf32>
    %add3A_947 = arith.constant 7168 : i32
    %add3A_948 = vector.broadcast %add3A_947 : i32 to vector<1024x128xi32>
    %add3A_949 = arith.addi %iota3A, %add3A_948 : vector<1024x128xi32>
    %select_n3A_950 = arith.select %lt3A_945, %add3A_949, %select_n3A_931 : vector<1024x128xi1>, vector<1024x128xi32>
    %slice3A_951 = vector.extract_strided_slice %dot_general3A_936 {offsets = [0, 128], sizes = [1024, 128], strides = [1, 1]} : vector<1024x256xf32> to vector<1024x128xf32>
    %sub3A_952 = vector.broadcast %broadcast_in_dim3A : vector<1024x1xf32> to vector<1024x128xf32>
    %sub3A_953 = arith.subf %sub3A_952, %slice3A_951 : vector<1024x128xf32>
    %get3A_954 = arith.constant 0 : index
    %get3A_955 = arith.constant 7296 : index
    %get3A_956 = vector.load %arg5[%get3A_954, %get3A_955] : memref<1x8192xf32, #tpu.memory_space<vmem>>, vector<1x128xf32>
    %add3A_957 = vector.broadcast %get3A_956 : vector<1x128xf32> to vector<1024x128xf32>
    %add3A_958 = arith.addf %sub3A_953, %add3A_957 : vector<1024x128xf32>
    %lt3A_959 = arith.cmpf olt, %add3A_958, %select_n3A_946 : vector<1024x128xf32>
    %select_n3A_960 = arith.select %lt3A_959, %add3A_958, %select_n3A_946 : vector<1024x128xi1>, vector<1024x128xf32>
    %add3A_961 = arith.constant 7296 : i32
    %add3A_962 = vector.broadcast %add3A_961 : i32 to vector<1024x128xi32>
    %add3A_963 = arith.addi %iota3A, %add3A_962 : vector<1024x128xi32>
    %select_n3A_964 = arith.select %lt3A_959, %add3A_963, %select_n3A_950 : vector<1024x128xi1>, vector<1024x128xi32>
    %get3A_965 = arith.constant 7424 : index
    %get3A_966 = arith.constant 0 : index
    %get3A_967 = vector.load %arg2[%get3A_965, %get3A_966] : memref<8192x32xf32, #tpu.memory_space<vmem>>, vector<256x32xf32>
    %dot_general3A_968 = arith.constant dense<0.000000e+00> : vector<1024x256xf32>
    %dot_general3A_969 = tpu.matmul %mul3A_9, %get3A_967, %dot_general3A_968 {dimension_numbers = #tpu.dot_dimension_numbers<[1], [1], [0], [0], [0, 0, 1, 0], [], []>, transpose_lhs_hint = false} : vector<1024x32xf32>, vector<256x32xf32>, vector<1024x256xf32> -> vector<1024x256xf32>
    %slice3A_970 = vector.extract_strided_slice %dot_general3A_969 {offsets = [0, 0], sizes = [1024, 128], strides = [1, 1]} : vector<1024x256xf32> to vector<1024x128xf32>
    %sub3A_971 = vector.broadcast %broadcast_in_dim3A : vector<1024x1xf32> to vector<1024x128xf32>
    %sub3A_972 = arith.subf %sub3A_971, %slice3A_970 : vector<1024x128xf32>
    %get3A_973 = arith.constant 0 : index
    %get3A_974 = arith.constant 7424 : index
    %get3A_975 = vector.load %arg5[%get3A_973, %get3A_974] : memref<1x8192xf32, #tpu.memory_space<vmem>>, vector<1x128xf32>
    %add3A_976 = vector.broadcast %get3A_975 : vector<1x128xf32> to vector<1024x128xf32>
    %add3A_977 = arith.addf %sub3A_972, %add3A_976 : vector<1024x128xf32>
    %lt3A_978 = arith.cmpf olt, %add3A_977, %select_n3A_960 : vector<1024x128xf32>
    %select_n3A_979 = arith.select %lt3A_978, %add3A_977, %select_n3A_960 : vector<1024x128xi1>, vector<1024x128xf32>
    %add3A_980 = arith.constant 7424 : i32
    %add3A_981 = vector.broadcast %add3A_980 : i32 to vector<1024x128xi32>
    %add3A_982 = arith.addi %iota3A, %add3A_981 : vector<1024x128xi32>
    %select_n3A_983 = arith.select %lt3A_978, %add3A_982, %select_n3A_964 : vector<1024x128xi1>, vector<1024x128xi32>
    %slice3A_984 = vector.extract_strided_slice %dot_general3A_969 {offsets = [0, 128], sizes = [1024, 128], strides = [1, 1]} : vector<1024x256xf32> to vector<1024x128xf32>
    %sub3A_985 = vector.broadcast %broadcast_in_dim3A : vector<1024x1xf32> to vector<1024x128xf32>
    %sub3A_986 = arith.subf %sub3A_985, %slice3A_984 : vector<1024x128xf32>
    %get3A_987 = arith.constant 0 : index
    %get3A_988 = arith.constant 7552 : index
    %get3A_989 = vector.load %arg5[%get3A_987, %get3A_988] : memref<1x8192xf32, #tpu.memory_space<vmem>>, vector<1x128xf32>
    %add3A_990 = vector.broadcast %get3A_989 : vector<1x128xf32> to vector<1024x128xf32>
    %add3A_991 = arith.addf %sub3A_986, %add3A_990 : vector<1024x128xf32>
    %lt3A_992 = arith.cmpf olt, %add3A_991, %select_n3A_979 : vector<1024x128xf32>
    %select_n3A_993 = arith.select %lt3A_992, %add3A_991, %select_n3A_979 : vector<1024x128xi1>, vector<1024x128xf32>
    %add3A_994 = arith.constant 7552 : i32
    %add3A_995 = vector.broadcast %add3A_994 : i32 to vector<1024x128xi32>
    %add3A_996 = arith.addi %iota3A, %add3A_995 : vector<1024x128xi32>
    %select_n3A_997 = arith.select %lt3A_992, %add3A_996, %select_n3A_983 : vector<1024x128xi1>, vector<1024x128xi32>
    %get3A_998 = arith.constant 7680 : index
    %get3A_999 = arith.constant 0 : index
    %get3A_1000 = vector.load %arg2[%get3A_998, %get3A_999] : memref<8192x32xf32, #tpu.memory_space<vmem>>, vector<256x32xf32>
    %dot_general3A_1001 = arith.constant dense<0.000000e+00> : vector<1024x256xf32>
    %dot_general3A_1002 = tpu.matmul %mul3A_9, %get3A_1000, %dot_general3A_1001 {dimension_numbers = #tpu.dot_dimension_numbers<[1], [1], [0], [0], [0, 0, 1, 0], [], []>, transpose_lhs_hint = false} : vector<1024x32xf32>, vector<256x32xf32>, vector<1024x256xf32> -> vector<1024x256xf32>
    %slice3A_1003 = vector.extract_strided_slice %dot_general3A_1002 {offsets = [0, 0], sizes = [1024, 128], strides = [1, 1]} : vector<1024x256xf32> to vector<1024x128xf32>
    %sub3A_1004 = vector.broadcast %broadcast_in_dim3A : vector<1024x1xf32> to vector<1024x128xf32>
    %sub3A_1005 = arith.subf %sub3A_1004, %slice3A_1003 : vector<1024x128xf32>
    %get3A_1006 = arith.constant 0 : index
    %get3A_1007 = arith.constant 7680 : index
    %get3A_1008 = vector.load %arg5[%get3A_1006, %get3A_1007] : memref<1x8192xf32, #tpu.memory_space<vmem>>, vector<1x128xf32>
    %add3A_1009 = vector.broadcast %get3A_1008 : vector<1x128xf32> to vector<1024x128xf32>
    %add3A_1010 = arith.addf %sub3A_1005, %add3A_1009 : vector<1024x128xf32>
    %lt3A_1011 = arith.cmpf olt, %add3A_1010, %select_n3A_993 : vector<1024x128xf32>
    %select_n3A_1012 = arith.select %lt3A_1011, %add3A_1010, %select_n3A_993 : vector<1024x128xi1>, vector<1024x128xf32>
    %add3A_1013 = arith.constant 7680 : i32
    %add3A_1014 = vector.broadcast %add3A_1013 : i32 to vector<1024x128xi32>
    %add3A_1015 = arith.addi %iota3A, %add3A_1014 : vector<1024x128xi32>
    %select_n3A_1016 = arith.select %lt3A_1011, %add3A_1015, %select_n3A_997 : vector<1024x128xi1>, vector<1024x128xi32>
    %slice3A_1017 = vector.extract_strided_slice %dot_general3A_1002 {offsets = [0, 128], sizes = [1024, 128], strides = [1, 1]} : vector<1024x256xf32> to vector<1024x128xf32>
    %sub3A_1018 = vector.broadcast %broadcast_in_dim3A : vector<1024x1xf32> to vector<1024x128xf32>
    %sub3A_1019 = arith.subf %sub3A_1018, %slice3A_1017 : vector<1024x128xf32>
    %get3A_1020 = arith.constant 0 : index
    %get3A_1021 = arith.constant 7808 : index
    %get3A_1022 = vector.load %arg5[%get3A_1020, %get3A_1021] : memref<1x8192xf32, #tpu.memory_space<vmem>>, vector<1x128xf32>
    %add3A_1023 = vector.broadcast %get3A_1022 : vector<1x128xf32> to vector<1024x128xf32>
    %add3A_1024 = arith.addf %sub3A_1019, %add3A_1023 : vector<1024x128xf32>
    %lt3A_1025 = arith.cmpf olt, %add3A_1024, %select_n3A_1012 : vector<1024x128xf32>
    %select_n3A_1026 = arith.select %lt3A_1025, %add3A_1024, %select_n3A_1012 : vector<1024x128xi1>, vector<1024x128xf32>
    %add3A_1027 = arith.constant 7808 : i32
    %add3A_1028 = vector.broadcast %add3A_1027 : i32 to vector<1024x128xi32>
    %add3A_1029 = arith.addi %iota3A, %add3A_1028 : vector<1024x128xi32>
    %select_n3A_1030 = arith.select %lt3A_1025, %add3A_1029, %select_n3A_1016 : vector<1024x128xi1>, vector<1024x128xi32>
    %get3A_1031 = arith.constant 7936 : index
    %get3A_1032 = arith.constant 0 : index
    %get3A_1033 = vector.load %arg2[%get3A_1031, %get3A_1032] : memref<8192x32xf32, #tpu.memory_space<vmem>>, vector<256x32xf32>
    %dot_general3A_1034 = arith.constant dense<0.000000e+00> : vector<1024x256xf32>
    %dot_general3A_1035 = tpu.matmul %mul3A_9, %get3A_1033, %dot_general3A_1034 {dimension_numbers = #tpu.dot_dimension_numbers<[1], [1], [0], [0], [0, 0, 1, 0], [], []>, transpose_lhs_hint = false} : vector<1024x32xf32>, vector<256x32xf32>, vector<1024x256xf32> -> vector<1024x256xf32>
    %slice3A_1036 = vector.extract_strided_slice %dot_general3A_1035 {offsets = [0, 0], sizes = [1024, 128], strides = [1, 1]} : vector<1024x256xf32> to vector<1024x128xf32>
    %sub3A_1037 = vector.broadcast %broadcast_in_dim3A : vector<1024x1xf32> to vector<1024x128xf32>
    %sub3A_1038 = arith.subf %sub3A_1037, %slice3A_1036 : vector<1024x128xf32>
    %get3A_1039 = arith.constant 0 : index
    %get3A_1040 = arith.constant 7936 : index
    %get3A_1041 = vector.load %arg5[%get3A_1039, %get3A_1040] : memref<1x8192xf32, #tpu.memory_space<vmem>>, vector<1x128xf32>
    %add3A_1042 = vector.broadcast %get3A_1041 : vector<1x128xf32> to vector<1024x128xf32>
    %add3A_1043 = arith.addf %sub3A_1038, %add3A_1042 : vector<1024x128xf32>
    %lt3A_1044 = arith.cmpf olt, %add3A_1043, %select_n3A_1026 : vector<1024x128xf32>
    %select_n3A_1045 = arith.select %lt3A_1044, %add3A_1043, %select_n3A_1026 : vector<1024x128xi1>, vector<1024x128xf32>
    %add3A_1046 = arith.constant 7936 : i32
    %add3A_1047 = vector.broadcast %add3A_1046 : i32 to vector<1024x128xi32>
    %add3A_1048 = arith.addi %iota3A, %add3A_1047 : vector<1024x128xi32>
    %select_n3A_1049 = arith.select %lt3A_1044, %add3A_1048, %select_n3A_1030 : vector<1024x128xi1>, vector<1024x128xi32>
    %slice3A_1050 = vector.extract_strided_slice %dot_general3A_1035 {offsets = [0, 128], sizes = [1024, 128], strides = [1, 1]} : vector<1024x256xf32> to vector<1024x128xf32>
    %sub3A_1051 = vector.broadcast %broadcast_in_dim3A : vector<1024x1xf32> to vector<1024x128xf32>
    %sub3A_1052 = arith.subf %sub3A_1051, %slice3A_1050 : vector<1024x128xf32>
    %get3A_1053 = arith.constant 0 : index
    %get3A_1054 = arith.constant 8064 : index
    %get3A_1055 = vector.load %arg5[%get3A_1053, %get3A_1054] : memref<1x8192xf32, #tpu.memory_space<vmem>>, vector<1x128xf32>
    %add3A_1056 = vector.broadcast %get3A_1055 : vector<1x128xf32> to vector<1024x128xf32>
    %add3A_1057 = arith.addf %sub3A_1052, %add3A_1056 : vector<1024x128xf32>
    %lt3A_1058 = arith.cmpf olt, %add3A_1057, %select_n3A_1045 : vector<1024x128xf32>
    %select_n3A_1059 = arith.select %lt3A_1058, %add3A_1057, %select_n3A_1045 : vector<1024x128xi1>, vector<1024x128xf32>
    %add3A_1060 = arith.constant 8064 : i32
    %add3A_1061 = vector.broadcast %add3A_1060 : i32 to vector<1024x128xi32>
    %add3A_1062 = arith.addi %iota3A, %add3A_1061 : vector<1024x128xi32>
    %select_n3A_1063 = arith.select %lt3A_1058, %add3A_1062, %select_n3A_1049 : vector<1024x128xi1>, vector<1024x128xi32>
    %reduce_min3A = arith.constant dense<0x7F800000> : vector<1024xf32>
    %reduce_min3A_1064 = vector.multi_reduction <minimumf>, %select_n3A_1059, %reduce_min3A [1] : vector<1024x128xf32> to vector<1024xf32>
    %broadcast_in_dim3A_1065 = vector.shape_cast %reduce_min3A_1064 : vector<1024xf32> to vector<1024x1xf32>
    %eq3A_1066 = vector.broadcast %broadcast_in_dim3A_1065 : vector<1024x1xf32> to vector<1024x128xf32>
    %eq3A_1067 = arith.cmpf oeq, %select_n3A_1059, %eq3A_1066 : vector<1024x128xf32>
    %jit3A = arith.constant 1073741824 : i32
    %broadcast_in_dim3A_1068 = vector.broadcast %jit3A : i32 to vector<1024x128xi32>
    %select_n3A_1069 = arith.select %eq3A_1067, %select_n3A_1063, %broadcast_in_dim3A_1068 : vector<1024x128xi1>, vector<1024x128xi32>
    %reduce_min3A_1070 = arith.constant dense<2147483647> : vector<1024xi32>
    %reduce_min3A_1071 = vector.multi_reduction <minsi>, %select_n3A_1069, %reduce_min3A_1070 [1] : vector<1024x128xi32> to vector<1024xi32>
    %broadcast_in_dim3A_1072 = vector.shape_cast %reduce_min3A_1071 : vector<1024xi32> to vector<1024x1xi32>
    %reshape3A = vector.shape_cast %broadcast_in_dim3A_1072 : vector<1024x1xi32> to vector<4x2x128xi32>
    %swap3A = arith.constant 0 : index
    %swap3A_1073 = arith.constant 0 : index
    %swap3A_1074 = arith.constant 0 : index
    %swap3A_1075 = vector.load %arg3[%swap3A, %swap3A_1073, %swap3A_1074] : memref<4x2x128xi32, #tpu.memory_space<vmem>>, vector<4x2x128xi32>
    tpu.vector_store %arg3[%swap3A, %swap3A_1073, %swap3A_1074], %reshape3A {strides = array<i32>} : memref<4x2x128xi32, #tpu.memory_space<vmem>>, vector<4x2x128xi32>,
    %get3A_1076 = arith.constant 0 : index
    %get3A_1077 = arith.constant 0 : index
    %get3A_1078 = vector.load %arg4[%get3A_1076, %get3A_1077] : memref<1x1xf32, #tpu.memory_space<vmem>>, vector<1x1xf32>
    %reduce_sum3A_1079 = vector.shape_cast %broadcast_in_dim3A_1065 : vector<1024x1xf32> to vector<1x1024x1xf32>
    %reduce_sum3A_1080 = arith.constant dense<0.000000e+00> : vector<1xf32>
    %reduce_sum3A_1081 = vector.multi_reduction <add>, %reduce_sum3A_1079, %reduce_sum3A_1080 [1, 2] : vector<1x1024x1xf32> to vector<1xf32>
    %reduce_sum3A_1082 = vector.shape_cast %reduce_sum3A_1081 : vector<1xf32> to vector<1x1x1xf32>
    %reduce_sum3A_1083 = vector.extract %reduce_sum3A_1082[0, 0, 0] : f32 from vector<1x1x1xf32>
    %broadcast_in_dim3A_1084 = vector.broadcast %reduce_sum3A_1083 : f32 to vector<1x1xf32>
    %add3A_1085 = arith.addf %get3A_1078, %broadcast_in_dim3A_1084 : vector<1x1xf32>
    %swap3A_1086 = arith.constant 0 : index
    %swap3A_1087 = arith.constant 0 : index
    %swap3A_1088 = vector.load %arg4[%swap3A_1086, %swap3A_1087] : memref<1x1xf32, #tpu.memory_space<vmem>>, vector<1x1xf32>
    tpu.vector_store %arg4[%swap3A_1086, %swap3A_1087], %add3A_1085 {strides = array<i32>} : memref<1x1xf32, #tpu.memory_space<vmem>>, vector<1x1xf32>,
    return
  }
  func.func @transform_0(%arg0: i32) -> (i32, i32, i32) {
    %c0_i32 = arith.constant 0 : i32
    %c0_i32_0 = arith.constant 0 : i32
    %c0_i32_1 = arith.constant 0 : i32
    return %arg0, %c0_i32, %c0_i32_0 : i32, i32, i32
  }
  func.func @transform_1(%arg0: i32) -> (i32, i32) {
    %c0_i32 = arith.constant 0 : i32
    %c0_i32_0 = arith.constant 0 : i32
    %c0_i32_1 = arith.constant 0 : i32
    return %c0_i32, %c0_i32_0 : i32, i32
  }
  func.func @transform_2(%arg0: i32) -> (i32, i32, i32) {
    %c0_i32 = arith.constant 0 : i32
    %c0_i32_0 = arith.constant 0 : i32
    %c0_i32_1 = arith.constant 0 : i32
    return %arg0, %c0_i32, %c0_i32_0 : i32, i32, i32
  }
  func.func @transform_3(%arg0: i32) -> (i32, i32) {
    %c0_i32 = arith.constant 0 : i32
    %c0_i32_0 = arith.constant 0 : i32
    %c0_i32_1 = arith.constant 0 : i32
    return %c0_i32, %c0_i32_0 : i32, i32
  }
}

</mosaic_0001>

<sc_bundles>
// kernel: kernel.4.cloned.1.call-start
scs
__scs_entry_jumppad:
0x0: {  	(pc) =	sbr.rel $0x88, $3  }
0x1: {  	(tag) =	ssettag $0x0;
	lr =	simm.s32 $0x1  }
0x2: {  	[smem:$0x3F9F] =	sst lr;
	_ =	strace $0xD0000000  }
0x3: {  	_ = 	snop  }
0x4: {  	_ = 	snop  }
0x5: {  	_ = 	snop  }
0x6: {  	_ = 	snop  }
0x7: {  	_ = 	snop  }
__scs_overlays_trampoline_lowered:
0x8: {  	[smem:$0x3FAE] =	sst s0  }
0x9: {  	[smem:$0x3FAF] =	sst s1  }
0xa: {  	[smem:$0x3FB0] =	sst s2  }
0xb: {  	[smem:$0x3FB1] =	sst s3  }
0xc: {  	[smem:$0x3FB2] =	sst s4  }
0xd: {  	[smem:$0x3FB3] =	sst s5  }
0xe: {  	[smem:$0x3FB4] =	sst s6  }
0xf: {  	[smem:$0x3FB5] =	sst s7  }
0x10: {  	[smem:$0x3FB6] =	sst s8  }
0x11: {  	[smem:$0x3FB7] =	sst s9;
	s0 =	simm.s32 @!p0 $0x0  }
0x12: {  	s1 =	sld [smem:$0x3F9D];
	s0 =	simm.s32 @p0 $0x1  }
0x13: {  	[smem:$0x3FB8] =	sst s0;
	s0 =	simm.s32 @!p1 $0x0  }
0x14: {  	s2 =	sld [smem:$0x3F9C];
	s0 =	simm.s32 @p1 $0x1  }
0x15: {  	[smem:$0x3FB9] =	sst s0;
	s0 =	simm.s32 @!p2 $0x0  }
0x16: {  	s3 =	sld [smem:$0x3FDB];
	s0 =	simm.s32 @p2 $0x1  }
0x17: {  	s4 =	simm.s32 $0x1BF5;
	[smem:$0x3FBB] =	sst s0  }
0x18: {  	s0 =	sld [smem:$0x3F9E];
	_ =	swait.ge [sflag:s4], $0x0  }
0x19: {  	s7 =	sld [smem:$0x3F9F]  }
0x1a: {  	s8 =	sadd.s32 $0xFFFFE003, lr  }
0x1b: {  	s9 =	sadd.s32 $0xFFFFFEF7, lr;
	s5 =	simm.s32 $0xFFFFFFFF;
	p2 =	slt.u32 s8, $0xFFFFF086  }
0x1c: {  	p1 =	slt.u32 s9, $0xF7A;
	s5 =	simm.s32 @!p2 $0x0  }
0x1d: {  	s5 =	simm.s32 @p1 $0x1;
	p0 =	seq.s32 s7, s2  }
0x1e: {  	s7 =	smul.u32 @!p0 $0xF7A, s2;
	p2 =	seq.s32 @!p0 s5, $0x0  }
0x1f: {  	s9 =	smul.u32 $0xF7A, s1;
	s8 =	simm.s32 @!p0 $0x1BF5;
	p2 =	por !p2, p0  }
0x20: {  	[sflag:s8] =	ssyncset.s32 @!p0 $0xFFFFF086;
	s6 =	sadd.s32 @!p0 s3, s7;
	s7 =	simm.s32 @!p0 $0x108  }
0x21: {  	s3 =	sadd.s32 s3, s9;
	s6 =	sadd.s32 @!p0 $0x88, s6;
	s7 =	simm.s32 @p2 $0x1082  }
0x22: {  	[simem:s7], [sflag:s8] =	dma.local @!p0 [hbm:s6], $0xF7A  }
0x23: {  	s9 =	sor.u32 $0xD0000000, s2;
	s6 =	simm.s32 $0x108;
	_ =	swait.ge @!p0 [sflag:s8], $0x0  }
0x24: {  	s3 =	sadd.s32 $0x88, s3;
	s6 =	simm.s32 @!p1 $0x1082;
	[sflag:s4] =	ssyncset.s32 $0xFFFFF086  }
0x25: {  	[simem:s6], [sflag:s4] =	dma.local [hbm:s3], $0xF7A  }
0x26: {  	[smem:$0x3F9F] =	sst s1;
	(tag) =	ssettag s2;
	_ =	strace s9  }
0x27: {  	s1 =	sld [smem:$0x3FAF]  }
0x28: {  	s2 =	sld [smem:$0x3FB0]  }
0x29: {  	s4 =	sld [smem:$0x3FB2]  }
0x2a: {  	p0 =	seq.s32 s5, $0x0;
	s5 =	sld [smem:$0x3FB3]  }
0x2b: {  	s6 =	sld [smem:$0x3FB4]  }
0x2c: {  	s7 =	sld [smem:$0x3FB5]  }
0x2d: {  	s3 =	simm.s32 $0x108;
	s8 =	sld [smem:$0x3FB6]  }
0x2e: {  	s3 =	simm.s32 @!p0 $0x1082;
	s9 =	sld [smem:$0x3FB7]  }
0x2f: {  	lr =	sadd.s32 s0, s3;
	s0 =	sld [smem:$0x3FAE]  }
0x30: {  	s3 =	sld [smem:$0x3FB1]  }
0x31: {  	[smem:$0x3FBA] =	sst s10  }
0x32: {  	s10 =	sld [smem:$0x3FB8];
	_ =	sdelay $0x3  }
0x33: {  	p0 =	seq.s32 s10, $0x1;
	s10 =	sld [smem:$0x3FBA];
	_ =	sdelay $0x3  }
0x34: {  	[smem:$0x3FBA] =	sst s10  }
0x35: {  	s10 =	sld [smem:$0x3FB9];
	_ =	sdelay $0x3  }
0x36: {  	p1 =	seq.s32 s10, $0x1;
	s10 =	sld [smem:$0x3FBA];
	_ =	sdelay $0x3  }
0x37: {  	[smem:$0x3FBA] =	sst s10  }
0x38: {  	s10 =	sld [smem:$0x3FBB]  }
0x39: {  	_ = 	snop;
	(pc) =	sbr.ind lr, $3  }
0x3a: {  	_ = 	snop  }
0x3b: {  	_ = 	snop  }
0x3c: {  	p2 =	seq.s32 s10, $0x1;
	s10 =	sld [smem:$0x3FBA]  }
0x3d: {  	_ =	shalt  }
0x3e: {  	_ =	shalt  }
0x3f: {  	_ =	shalt  }
0x40: {  	_ =	shalt  }
0x41: {  	_ =	shalt  }
0x42: {  	_ =	shalt  }
0x43: {  	_ =	shalt  }
0x44: {  	_ =	shalt  }
0x45: {  	_ =	shalt  }
0x46: {  	_ =	shalt  }
0x47: {  	_ =	shalt  }
0x48: {  	_ =	shalt  }
0x49: {  	_ =	shalt  }
0x4a: {  	_ =	shalt  }
0x4b: {  	_ =	shalt  }
0x4c: {  	_ =	shalt  }
0x4d: {  	_ =	shalt  }
0x4e: {  	_ =	shalt  }
0x4f: {  	_ =	shalt  }
0x50: {  	_ =	shalt  }
0x51: {  	_ =	shalt  }
0x52: {  	_ =	shalt  }
0x53: {  	_ =	shalt  }
0x54: {  	_ =	shalt  }
0x55: {  	_ =	shalt  }
0x56: {  	_ =	shalt  }
0x57: {  	_ =	shalt  }
0x58: {  	_ =	shalt  }
0x59: {  	_ =	shalt  }
0x5a: {  	_ =	shalt  }
0x5b: {  	_ =	shalt  }
0x5c: {  	_ =	shalt  }
0x5d: {  	_ =	shalt  }
0x5e: {  	_ =	shalt  }
0x5f: {  	_ =	shalt  }
0x60: {  	_ =	shalt  }
0x61: {  	_ =	shalt  }
0x62: {  	_ =	shalt  }
0x63: {  	_ =	shalt  }
0x64: {  	_ =	shalt  }
0x65: {  	_ =	shalt  }
0x66: {  	_ =	shalt  }
0x67: {  	_ =	shalt  }
0x68: {  	_ =	shalt  }
0x69: {  	_ =	shalt  }
0x6a: {  	_ =	shalt  }
0x6b: {  	_ =	shalt  }
0x6c: {  	_ =	shalt  }
0x6d: {  	_ =	shalt  }
0x6e: {  	_ =	shalt  }
0x6f: {  	_ =	shalt  }
0x70: {  	_ =	shalt  }
0x71: {  	_ =	shalt  }
0x72: {  	_ =	shalt  }
0x73: {  	_ =	shalt  }
0x74: {  	_ =	shalt  }
0x75: {  	_ =	shalt  }
0x76: {  	_ =	shalt  }
0x77: {  	_ =	shalt  }
0x78: {  	_ =	shalt  }
0x79: {  	_ =	shalt  }
0x7a: {  	_ =	shalt  }
0x7b: {  	_ =	shalt  }
0x7c: {  	_ =	shalt  }
0x7d: {  	_ =	shalt  }
0x7e: {  	_ =	shalt  }
0x7f: {  	_ =	shalt  }
0x80: {  	_ =	shalt  }
0x81: {  	_ =	shalt  }
0x82: {  	_ =	shalt  }
0x83: {  	_ =	shalt  }
0x84: {  	_ =	shalt  }
0x85: {  	_ =	shalt  }
0x86: {  	_ =	shalt  }
0x87: {  	_ =	shalt  }
.Lfunc_end0:
.L_simem_size_0:
called_computation_lowered:
.L_overlay_start_0:
0x88: {  	s2 =	sld [smem:$0x3FD9]  }
0x89: {  	s3 =	sld [smem:$0x3FFE];
	_ =	sdelay $0x1  }
0x8a: {  	s1 =	srdreg.scid  }
0x8b: {  	s0 =	sand.u32 $0x1, s1  }
0x8c: {  	s14 =	sshll.u32 s0, $0xA;
	s2 =	sadd.s32 s3, s2  }
0x8d: {  	s2 =	sadd.s32 s2, s14  }
0x8e: {  	[smem:$0x3FC6] =	sst s2  }
0x8f: {  	_ = 	snop  }
0x90: {  	s2 =	sld [smem:$0x3FD0];
	_ =	sdelay $0x2  }
0x91: {  	s15 =	simm.s32 $0xA;
	s4 =	simm.s32 $0x10  }
0x92: {  	[smem:s4], [sflag:s15] =	dma.local [hbm:s2], $0x1  }
0x93: {  	_ =	swait.eq [sflag:s15], $0x1  }
0x94: {  	[sflag:s15] =	ssyncset.done $0x0  }
0x95: {  	[sflag:s15] =	ssyncadd.s32 $0xFFFFFFFF  }
0x96: {  	s16 =	sld [smem:$0x10];
	(tm) =	ssettm $0x1  }
0x97: {  	s17 =	sld [smem:$0x3FFB];
	_ =	sdelay $0x3  }
0x98: {  	_ =	strace s17  }
0x99: {  	s3 =	sld [smem:$0x3FFC];
	_ =	sdelay $0x3  }
0x9a: {  	_ =	strace s3  }
0x9b: {  	s3 =	sld [smem:$0x3FFD];
	_ =	sdelay $0x3  }
0x9c: {  	_ =	strace s3  }
0x9d: {  	_ =	strace $0x8FFFFFFF  }
0x9e: {  	s18 =	sld [smem:$0x3FDB];
	_ =	sdelay $0x1  }
0x9f: {  	s19 =	simm.s32 $_scs_section_size  }
0xa0: {  	s5 =	simm.s32 $_size__tile_overlayer_lowered;
	s6 =	simm.s32 $_tile_overlayer_lowered  }
0xa1: {  	s22 =	simm.s32 $0x1BFF;
	s21 =	sshll.u32 s6, $0x1;
	s3 =	sadd.s32 s19, s18  }
0xa2: {  	s7 =	simm.s32 $0x0;
	s20 =	sshll.u32 s5, $0x1;
	s5 =	sadd.s32 s21, s3  }
0xa3: {  	[timem:s7], [sflag:s22] =	dma.local [hbm:s5], s20  }
0xa4: {  	_ =	swait.ge [sflag:s22], s20  }
0xa5: {  	s4 =	ssub.s32 $0x0, s20;
	[sflag:s22] =	ssyncset.done $0x0  }
0xa6: {  	[sflag:s22] =	ssyncadd.s32 s4;
	_ =	sdelay $0x1  }
0xa7: {  	s23 =	simm.s32 $0x1B8B  }
0xa8: {  	_ =	swait.ge [sflag:s23], $0x1  }
0xa9: {  	[sflag:s23] =	ssyncset.done $0x0  }
0xaa: {  	s25 =	simm.s32 $0x1B8E;
	s24 =	sld [smem:$0x3FFE];
	[sflag:s23] =	ssyncadd.s32 $0xFFFFFFFF  }
0xab: {  	s26 =	simm.s32 $execute0_lowered;
	[smem:$0x3FD2] =	sst s25  }
0xac: {  	s5 =	sshll.u32 s26, $0x1;
	_ =	strace $0x80000046;
	[dreg:$0x1] =	wrdreg $0xFFFFFFFF  }
0xad: {  	s28 =	simm.s32 $_size_execute0_lowered;
	s3 =	sadd.s32 s3, s5;
	[dreg:$0x0] =	wrdreg $0x0  }
0xae: {  	s5 =	sshll.u32 s28, $0x1;
	[dreg:$0x2] =	wrdreg s3  }
0xaf: {  	[dreg:$0x3] =	wrdreg s5  }
0xb0: {  	[dreg:$0x4] =	wrdreg $0xC0  }
0xb1: {  	_ =	task [dreg:s7], $0x5FFFF  }
0xb2: {  	[dreg:$0x1] =	wrdreg $0xFFFFFFFF  }
0xb3: {  	[dreg:$0x0] =	wrdreg $0x60  }
0xb4: {  	[dreg:$0x2] =	wrdreg s16  }
0xb5: {  	[dreg:$0x3] =	wrdreg s24  }
0xb6: {  	[dreg:$0x4] =	wrdreg $0x9  }
0xb7: {  	_ =	task.clear_ibuf [dreg:s7], $0x5FFFF;
	_ =	strace $0x90000046  }
0xb8: {  	s29 =	simm.s32 $0x9;
	_ =	strace $0x80000048  }
0xb9: {  	_ =	swait.ge [sflag:s29], $0x1  }
0xba: {  	[sflag:s29] =	ssyncadd.s32 $0xFFFFFFFF  }
0xbb: {  	_ =	strace $0x90000048  }
0xbc: {  	_ =	sfence  }
0xbd: {  	s30 =	sld [smem:$0x0];
	_ =	sdelay $0x2  }
0xbe: {  	s31 =	sshll.u32 s1, $0xD;
	s1 =	sshrl.u32 s1, $0x2  }
0xbf: {  	s3 =	sand.u32 $0x4000, s31;
	s1 =	sadd.s32 s1, s30  }
0xc0: {  	s0 =	sor.u32 s3, s0;
	s1 =	sshll.u32 s1, $0x11  }
0xc1: {  	s0 =	sor.u32 s1, s0  }
0xc2: {  	s0 =	sadd.s32 $0x8F2B, s0  }
0xc3: {  	[sflag:s0] =	ssyncadd.remote.s32 $0x1  }
0xc4: {  	_ =	sfence.sel $0xFFFF  }
0xc5: {  	[dreg:$0x0] =	wrdreg $0xFFFFFFFF;
	(pc) =	sbr.abs _section_cstart, $3  }
0xc6: {  	[dreg:$0x1] =	wrdreg $0xFFFFFFFF  }
0xc7: {  	_ =	task.clear_ibuf [dreg:s7], $0x2FFFF;
	_ =	strace $0x9FFFFFFF  }
0xc8: {  	(tm) =	ssettm $0x7FFFFFFF  }
0xc9: {  	_ =	shalt  }
tec
execute0_lowered:
.L_overlay_start_1:
0x0: {  	(tag) =	ssettag $0x1  }
0x1: {  	s1 =	srdreg.scid  }
0x2: {  	s0 =	stileid.u32;
	s10 =	sand.u32 $0x1, s1  }
0x3: {  	s2 =	rddreg [dreg:$0x0];
	s30 =	sshll.u32 s0, $0x9;
	s3 =	sshll.u32 s10, $0x8  }
0x4: {  	s11 =	rddreg [dreg:$0x1];
	s12 =	sor.u32 s3, s30  }
0x5: {  	s1 =	rddreg [dreg:$0x2];
	s3 =	simm.s32 $0x0;
	s4 =	sshrl.u32 s12, $0x3  }
0x6: {  	[smem:$0x7FF] =	sst s3;
	s4 =	sadd.s32 s4, s11  }
0x7: {  	_ =	strace $0x80000047;
	s5 =	sadd.s32 $0xA00, s4;
	s4 =	simm.s32 $0x2  }
0x8: {  	[tilespmem:s3], [sflag:$0x2] =	stream.linear.gather [hbm4b:s5+s3], $0x100, $0x38;
	[tilespmem:$0x2100] =	vst v63  }
0x9: {  	_ =	swait.ge [sflag:s4], $0x100  }
0xa: {  	[sflag:s4] =	ssyncset.done $0x0  }
0xb: {  	s6 =	simm.s32 $0x80;
	s7 =	simm.s32 $0x100;
	[sflag:s4] =	ssyncadd.s32 $0xFFFFFF00  }
0xc: {  	[tilespmem:s7], [sflag:$0x1] =	stream.indirect.gather [hbm4b:s2+s6], $0x20, s3, s6, $0xb8;
	[tilespmem:$0x2100] =	vst v63  }
0xd: {  	s8 =	simm.s32 $0x1100;
	s9 =	simm.s32 $0x1  }
0xe: {  	[tilespmem:s8], [sflag:$0x1] =	stream.indirect.gather [hbm4b:s2+s6], $0x20, s6, s6, $0xb8;
	[tilespmem:$0x2100] =	vst v63  }
0xf: {  	_ =	swait.ge [sflag:s9], $0x1000  }
0x10: {  	[sflag:s9] =	ssyncset.done $0x0  }
0x11: {  	s31 =	ssub.s32 $0x2, s10;
	[sflag:s9] =	ssyncadd.s32 $0xFFFFF000  }
0x12: {  	s13 =	sshrl.u32 s31, $0x1;
	s12 =	sshll.u32 s12, $0x2;
	_ =	swait.ge [sflag:s9], $0x1000  }
0x13: {  	s11 =	sadd.s32 s12, s11;
	s12 =	ssub.s32 s31, s13;
	[sflag:s9] =	ssyncset.done $0x0  }
0x14: {  	s10 =	sadd.s32 $0xE00, s11;
	s12 =	smax.u32 s12, $0x1;
	[sflag:s9] =	ssyncadd.s32 $0xFFFFF000  }
0x15: {  	[hbm4b:s10+s3] =	stream.linear.scatter [tilespmem:s7], [sflag:$0x2], $0x1000, $0x38;
	[tilespmem:$0x2100] =	vst v63  }
0x16: {  	p0 =	sne.s32 s12, $0x1;
	_ =	swait.ge [sflag:s4], $0x1000  }
.Ltmp0:
0x17: {  	[sflag:s4] =	ssyncset.done $0x0;
	(pc) =	sbr.rel @!p0 .LBB2_2-.Ltmp0, $4  }
0x18: {  	s11 =	sadd.s32 $0x1000, s11;
	[sflag:s4] =	ssyncadd.s32 $0xFFFFF000  }
0x19: {  	[hbm4b:s11+s3] =	stream.linear.scatter [tilespmem:s8], [sflag:$0x2], $0x1000, $0x38;
	[tilespmem:$0x2100] =	vst v63  }
0x1a: {  	_ =	swait.ge [sflag:s4], $0x1000  }
0x1b: {  	s12 =	sadd.s32 $0xFFFFFFFF, s12;
	[sflag:s4] =	ssyncset.done $0x0  }
.LBB2_1:
0x1c: {  	p0 =	sne.s32 s12, $0x1;
	s12 =	sadd.s32 $0xFFFFFFFF, s12;
	[sflag:s4] =	ssyncadd.s32 $0xFFFFF000  }
0x1d: {  	[tilespmem:s3], [sflag:$0x2] =	stream.linear.gather [hbm4b:s5+s3], $0x100, $0x38;
	[tilespmem:$0x2100] =	vst v63  }
0x1e: {  	_ =	swait.ge [sflag:s4], $0x100  }
0x1f: {  	[sflag:s4] =	ssyncset.done $0x0  }
0x20: {  	[sflag:s4] =	ssyncadd.s32 $0xFFFFFF00  }
0x21: {  	[tilespmem:s7], [sflag:$0x1] =	stream.indirect.gather [hbm4b:s2+s6], $0x20, s3, s6, $0xb8;
	[tilespmem:$0x2100] =	vst v63  }
0x22: {  	_ = 	snop  }
0x23: {  	[tilespmem:s8], [sflag:$0x1] =	stream.indirect.gather [hbm4b:s2+s6], $0x20, s6, s6, $0xb8;
	[tilespmem:$0x2100] =	vst v63  }
0x24: {  	_ =	swait.ge [sflag:s9], $0x1000  }
0x25: {  	[sflag:s9] =	ssyncset.done $0x0  }
0x26: {  	[sflag:s9] =	ssyncadd.s32 $0xFFFFF000  }
0x27: {  	_ =	swait.ge [sflag:s9], $0x1000  }
0x28: {  	[sflag:s9] =	ssyncset.done $0x0  }
0x29: {  	[sflag:s9] =	ssyncadd.s32 $0xFFFFF000  }
0x2a: {  	[hbm4b:s10+s3] =	stream.linear.scatter [tilespmem:s7], [sflag:$0x2], $0x1000, $0x38;
	[tilespmem:$0x2100] =	vst v63  }
0x2b: {  	_ =	swait.ge [sflag:s4], $0x1000  }
.Ltmp1:
0x2c: {  	[sflag:s4] =	ssyncset.done $0x0;
	(pc) =	sbr.rel @p0 .LBB2_1-.Ltmp1, $4  }
0x2d: {  	[sflag:s4] =	ssyncadd.s32 $0xFFFFF000  }
0x2e: {  	[hbm4b:s11+s3] =	stream.linear.scatter [tilespmem:s8], [sflag:$0x2], $0x1000, $0x38;
	[tilespmem:$0x2100] =	vst v63  }
0x2f: {  	_ =	swait.ge [sflag:s4], $0x1000  }
0x30: {  	[sflag:s4] =	ssyncset.done $0x0  }
.LBB2_2:
0x31: {  	[sflag:s4] =	ssyncadd.s32 $0xFFFFF000  }
0x32: {  	_ =	sfence.sel $0x180000  }
0x33: {  	[bflag:$0x0] =	sbarrier.arrive $0xFFFF  }
0x34: {  	p0 =	sne.s32 s0, $0x0;
	_ =	strace $0x90000047  }
0x35: {  	s0 =	sadd.s32 @!p0 $0x100000, s1;
	[bflag:$0x2] =	sbarrier.arrive $0xFFFF  }
0x36: {  	[sflag:s0] =	ssyncadd.tile.s32 @!p0 $0x1;
	_ =	shalt  }
.Lfunc_end2:
_tile_overlayer_lowered:
.L_overlay_start_2:
0x37: {  	(tag) =	ssettag $0x2  }
0x38: {  	s0 =	rddreg [dreg:$0x0];
	s2 =	stileid.u32  }
0x39: {  	s1 =	rddreg [dreg:$0x1];
	p0 =	sne.s32 s2, $0x0  }
0x3a: {  	s3 =	rddreg [dreg:$0x2];
	[bflag:$0x3] =	sbarrier.arrive $0xFFFF;
	s2 =	simm.s32 @!p0 $0x1C02  }
0x3b: {  	[timem:s3], [sflag:s2] =	dma.local @!p0 [hbm:s0], s1  }
0x3c: {  	s0 =	simm.s32 @!p0 $0x2  }
0x3d: {  	_ =	swait.ge @!p0 [sflag:s0], s1  }
0x3e: {  	s1 =	ssub.s32 @!p0 $0x0, s1;
	[sflag:s0] =	ssyncset.done @!p0 $0x0  }
0x3f: {  	[sflag:s0] =	ssyncadd.s32 @!p0 s1  }
0x40: {  	[bflag:$0x3] =	sbarrier.arrive $0xFFFF  }
0x41: {  	_ =	shalt  }

</sc_bundles>
